<compile_context>
chip_gen: v7x
topology: tpu7x:2x2x1
jax: 0.10.2.dev20260603
libtpu: 0.0.44.dev20260713+nightly
codegen_flags: <defaults>
</compile_context>

<pallas_src>
import jax
import jax.numpy as jnp
from jax import lax
from jax.experimental import pallas as pl
from jax.experimental.pallas import tpu as pltpu
from jax.experimental.pallas import tpu_sc as plsc

P = 16
S = 512
T = 32768
L = 16
NW = 32

TC_T = 24576
SC_T = T - TC_T
BT = 2048

SC_ROWS_PER_TILE = SC_T // NW
CHUNK = 64
NCHUNK = SC_ROWS_PER_TILE // CHUNK
NPAIR = NCHUNK // 2

_LN2 = 0.6931471805599453
_SQRT2 = 1.4142135623730951

NACC = 4
UNROLL = 16


def _vlog(x):
    b = lax.bitcast_convert_type(x, jnp.int32)
    e = ((b >> 23) & 0xFF) - 127
    m = lax.bitcast_convert_type((b & 0x007FFFFF) | 0x3F800000, jnp.float32)
    big = m > _SQRT2
    e = jnp.where(big, e + 1, e)
    m = jnp.where(big, m * 0.5, m)
    r = (m - 1.0) / (m + 1.0)
    r2 = r * r
    poly = 1.0 + r2 * (0.3333333333 + r2 * (0.2 + r2 * 0.142857143))
    return e.astype(jnp.float32) * _LN2 + 2.0 * r * poly


def _group(buf, costs_v, valid_v, seg_v, out_v, local0, grp):
    off = local0 + grp * L
    seg_vec = seg_v[pl.ds(off, L)]
    lane = lax.iota(jnp.int32, L)
    row_vec = lane + grp * L
    col0 = (lane * 33) & (S - 1)

    def body(c, carry):
        accs, col = carry
        accs = list(accs)
        for u in range(UNROLL):
            a = plsc.load_gather(buf, [row_vec, col])
            w = plsc.load_gather(costs_v, [seg_vec, col])
            accs[u % NACC] = accs[u % NACC] + a * w
            col = (col + 1) & (S - 1)
        return tuple(accs), col

    init = tuple(jnp.zeros((L,), jnp.float32) for _ in range(NACC))
    accs, _ = lax.fori_loop(0, S // UNROLL, body, (init, col0))
    res = (accs[0] + accs[1]) + (accs[2] + accs[3])

    vq = plsc.load_gather(valid_v, [seg_vec]) > 0
    s_safe = jnp.where(vq, res, 1.0)
    out_v[pl.ds(off, L)] = jnp.where(vq, _vlog(s_safe), 0.0)


def _sc_body(occ_hbm, costs_hbm, valid_hbm, seg_hbm, out_hbm,
             costs_v, valid_v, seg_v, out_v, buf0, buf1, sem0, sem1, sem2):
    wid = lax.axis_index("s") * 2 + lax.axis_index("c")
    base = TC_T + wid * SC_ROWS_PER_TILE

    pltpu.async_copy(occ_hbm.at[pl.ds(base, CHUNK)], buf0, sem0)
    pltpu.async_copy(occ_hbm.at[pl.ds(base + CHUNK, CHUNK)], buf1, sem1)
    pltpu.async_copy(costs_hbm, costs_v, sem2)
    pltpu.async_copy(valid_hbm, valid_v, sem2)
    pltpu.async_copy(seg_hbm.at[pl.ds(base, SC_ROWS_PER_TILE)], seg_v, sem2)
    pltpu.make_async_copy(costs_hbm, costs_v, sem2).wait()
    pltpu.make_async_copy(valid_hbm, valid_v, sem2).wait()
    pltpu.make_async_copy(
        seg_hbm.at[pl.ds(base, SC_ROWS_PER_TILE)], seg_v, sem2).wait()

    def pair(i, carry):
        c0 = 2 * i
        for b, (buf, sem) in enumerate(((buf0, sem0), (buf1, sem1))):
            cidx = c0 + b
            local0 = cidx * CHUNK
            pltpu.make_async_copy(occ_hbm.at[pl.ds(0, CHUNK)], buf, sem).wait()

            def do_group(g, c, buf=buf, local0=local0):
                _group(buf, costs_v, valid_v, seg_v, out_v, local0, g)
                return c

            lax.fori_loop(0, CHUNK // L, do_group, 0)

            @pl.when(cidx + 2 < NCHUNK)
            def _():
                pltpu.async_copy(
                    occ_hbm.at[pl.ds(base + (cidx + 2) * CHUNK, CHUNK)],
                    buf, sem)

        return carry

    lax.fori_loop(0, NPAIR, pair, 0)
    if NCHUNK % 2:
        cidx = NCHUNK - 1
        local0 = cidx * CHUNK
        pltpu.make_async_copy(occ_hbm.at[pl.ds(0, CHUNK)], buf0, sem0).wait()

        def do_last(g, c):
            _group(buf0, costs_v, valid_v, seg_v, out_v, local0, g)
            return c

        lax.fori_loop(0, CHUNK // L, do_last, 0)
    pltpu.sync_copy(
        out_v, out_hbm.at[pl.ds(wid * SC_ROWS_PER_TILE, SC_ROWS_PER_TILE)])


def _tc_body(occ_ref, costs_ref, valid_ref, seg_ref, out_ref):
    x = occ_ref[...]
    c = costs_ref[...]
    m = jax.lax.dot_general(
        x, c, (((1,), (1,)), ((), ())),
        preferred_element_type=jnp.float32)
    seg = seg_ref[0, 0, :]
    bt = x.shape[0]
    pid = jax.lax.broadcasted_iota(jnp.int32, (bt, P), 1)
    onehot = seg[:, None] == pid
    s = jnp.sum(jnp.where(onehot, m, 0.0), axis=1)
    vf = valid_ref[0, :]
    vq = jnp.sum(jnp.where(onehot, jnp.broadcast_to(vf[None, :], (bt, P)), 0.0),
                 axis=1) > 0.5
    out_ref[0, 0, :] = jnp.where(vq, jnp.log(jnp.where(vq, s, 1.0)), 0.0)


def kernel(occurrence_count, costs, valid, segment_ids):
    valid_i = valid.astype(jnp.int32)
    valid_f = valid.astype(jnp.float32).reshape(1, P)

    sc_run = pl.kernel(
        _sc_body,
        out_type=jax.ShapeDtypeStruct((SC_T,), jnp.float32),
        mesh=plsc.VectorSubcoreMesh(core_axis_name="c", subcore_axis_name="s"),
        compiler_params=pltpu.CompilerParams(
            needs_layout_passes=False, skip_device_barrier=True),
        scratch_types=[
            pltpu.VMEM((P, S), jnp.float32),
            pltpu.VMEM((P,), jnp.int32),
            pltpu.VMEM((SC_ROWS_PER_TILE,), jnp.int32),
            pltpu.VMEM((SC_ROWS_PER_TILE,), jnp.float32),
            pltpu.VMEM((CHUNK, S), jnp.float32),
            pltpu.VMEM((CHUNK, S), jnp.float32),
            pltpu.SemaphoreType.DMA,
            pltpu.SemaphoreType.DMA,
            pltpu.SemaphoreType.DMA,
        ],
    )
    sc_out = sc_run(occurrence_count, costs, valid_i, segment_ids)

    nb = TC_T // BT
    seg3 = segment_ids.reshape(T // BT, 1, BT)
    tc_out = pl.pallas_call(
        _tc_body,
        grid=(nb,),
        in_specs=[
            pl.BlockSpec((BT, S), lambda i: (i, 0)),
            pl.BlockSpec((P, S), lambda i: (0, 0)),
            pl.BlockSpec((1, P), lambda i: (0, 0)),
            pl.BlockSpec((1, 1, BT), lambda i: (i, 0, 0)),
        ],
        out_specs=pl.BlockSpec((1, 1, BT), lambda i: (i, 0, 0)),
        out_shape=jax.ShapeDtypeStruct((nb, 1, BT), jnp.float32),
    )(occurrence_count, costs, valid_f, seg3)

    return jnp.concatenate([tc_out.reshape(TC_T), sc_out])

# --- scband reference (transcript-rebuilt; emitter-appended) ---
"""Pipeline reference for scband-classifier-30339648979041 (READ-ONLY COPY).

The authoritative reference and input builder live on the scoring server;
editing this copy changes nothing except your own understanding.
"""

import jax, jax.numpy as jnp
import numpy as np

P = 16
T = 32768
S = 512

def setup_inputs(seed: int = 0) -> dict:
    key = jax.random.key(seed)
    k1, k2, k3, k4 = jax.random.split(key, 4)
    # occurrence counts per (question, symbol): nonnegative so log(sum) is finite
    occurrence_count = jax.random.uniform(k1, (T, S), dtype=jnp.float32)
    # symbol costs per problem (output of symbol_weight_model 'costs' field)
    costs = jax.random.uniform(k2, (P, S), dtype=jnp.float32)
    # validity flag per problem (output of symbol_weight_model 'valid' field)
    valid = jax.random.randint(k3, (P,), 0, 2) > 0
    # ragged question->problem mapping (sorted segment ids, equivalent to row_splits)
    segment_ids = jnp.sort(jax.random.randint(k4, (T,), 0, P)).astype(jnp.int32)
    return {"occurrence_count": occurrence_count, "costs": costs, "valid": valid, "segment_ids": segment_ids}

def reference(occurrence_count, costs, valid, segment_ids):
    # Classifier.call -> costs_decorated_to_logits -> costs_to_logits
    # tile_like: broadcast each problem's symbol costs to all its questions (gather)
    sc_like_questions = jnp.take(costs, segment_ids, axis=0)          # [T, S]
    # potentials = occurrence_count * tiled costs (ragged map_flat_values multiply)
    potentials = occurrence_count * sc_like_questions                  # [T, S]
    # reduce over symbol axis, then log
    s = jnp.sum(potentials, axis=1)                                    # [T]
    # scatter valid logits into zeros at valid question positions;
    # invalid problems' questions stay 0 (scatter_nd into zeros in the original)
    valid_q = jnp.take(valid, segment_ids, axis=0)                     # [T] bool
    s_safe = jnp.where(valid_q, s, 1.0)
    logits = jnp.where(valid_q, jnp.log(s_safe), 0.0)
    return logits

if __name__ == "__main__":
    import jax
    _d = setup_inputs()
    print(jax.jit(kernel)(*tuple(_d.values())))

</pallas_src>

<mosaic_0001>
#map = affine_map<(d0, d1) -> (0, 0)>
#map1 = affine_map<(d0, d1) -> (0)>
module attributes {stable_mosaic.version = 14 : i64} {
  func.func @_sc_body(%arg0: i32, %arg1: i32, %arg2: memref<32768x512xf32, #tpu.memory_space<hbm>>, %arg3: memref<16x512xf32, #tpu.memory_space<hbm>>, %arg4: memref<16xi32, #tpu.memory_space<hbm>>, %arg5: memref<32768xi32, #tpu.memory_space<hbm>>, %arg6: memref<8192xf32, #tpu.memory_space<hbm>>, %arg7: memref<16x512xf32, #tpu.memory_space<vmem>>, %arg8: memref<16xi32, #tpu.memory_space<vmem>>, %arg9: memref<256xi32, #tpu.memory_space<vmem>>, %arg10: memref<256xf32, #tpu.memory_space<vmem>>, %arg11: memref<64x512xf32, #tpu.memory_space<vmem>>, %arg12: memref<64x512xf32, #tpu.memory_space<vmem>>, %arg13: memref<!tpu.dma_semaphore, #tpu.memory_space<semaphore_mem>>, %arg14: memref<!tpu.dma_semaphore, #tpu.memory_space<semaphore_mem>>, %arg15: memref<!tpu.dma_semaphore, #tpu.memory_space<semaphore_mem>>) attributes {dimension_semantics = [#tpu.dimension_semantics<core_parallel>, #tpu.dimension_semantics<subcore_parallel>], iteration_bounds = array<i64: 2, 16>, scalar_prefetch = 0 : i64, scratch_operands = 9 : i64, tpu.core_type = #tpu.core_type<sc_vector_subcore>, window_params = [{transform_indices = #map}, {transform_indices = #map}, {transform_indices = #map1}, {transform_indices = #map1}, {transform_indices = #map1}]} {
    %mul3A = arith.constant 2 : i32
    %mul3A_0 = arith.muli %arg1, %mul3A : i32
    %add3A = arith.addi %mul3A_0, %arg0 : i32
    %mul3A_1 = arith.constant 256 : i32
    %mul3A_2 = arith.muli %add3A, %mul3A_1 : i32
    %add3A_3 = arith.constant 24576 : i32
    %add3A_4 = arith.addi %add3A_3, %mul3A_2 : i32
    %dma_start3A = arith.constant 0 : i32
    %dma_start3A_5 = tpu.memref_slice %arg2[%add3A_4, %dma_start3A] : memref<32768x512xf32, #tpu.memory_space<hbm>> -> memref<64x512xf32, #tpu.memory_space<hbm>>
    %dma_start3A_6 = arith.constant 0 : i32
    %dma_start3A_7 = tpu.memref_slice %arg2[%add3A_4, %dma_start3A_6] : memref<32768x512xf32, #tpu.memory_space<hbm>> -> memref<64x512xf32, #tpu.memory_space<hbm>>
    tpu.enqueue_dma source(%dma_start3A_7 : memref<64x512xf32, #tpu.memory_space<hbm>>) target(%arg11 : memref<64x512xf32, #tpu.memory_space<vmem>>) target_semaphore(%arg13 : memref<!tpu.dma_semaphore, #tpu.memory_space<semaphore_mem>>)
    %add3A_8 = arith.constant 64 : i32
    %add3A_9 = arith.addi %add3A_4, %add3A_8 : i32
    %dma_start3A_10 = arith.constant 0 : i32
    %dma_start3A_11 = tpu.memref_slice %arg2[%add3A_9, %dma_start3A_10] : memref<32768x512xf32, #tpu.memory_space<hbm>> -> memref<64x512xf32, #tpu.memory_space<hbm>>
    %dma_start3A_12 = arith.constant 0 : i32
    %dma_start3A_13 = tpu.memref_slice %arg2[%add3A_9, %dma_start3A_12] : memref<32768x512xf32, #tpu.memory_space<hbm>> -> memref<64x512xf32, #tpu.memory_space<hbm>>
    tpu.enqueue_dma source(%dma_start3A_13 : memref<64x512xf32, #tpu.memory_space<hbm>>) target(%arg12 : memref<64x512xf32, #tpu.memory_space<vmem>>) target_semaphore(%arg14 : memref<!tpu.dma_semaphore, #tpu.memory_space<semaphore_mem>>)
    tpu.enqueue_dma source(%arg3 : memref<16x512xf32, #tpu.memory_space<hbm>>) target(%arg7 : memref<16x512xf32, #tpu.memory_space<vmem>>) target_semaphore(%arg15 : memref<!tpu.dma_semaphore, #tpu.memory_space<semaphore_mem>>)
    tpu.enqueue_dma source(%arg4 : memref<16xi32, #tpu.memory_space<hbm>>) target(%arg8 : memref<16xi32, #tpu.memory_space<vmem>>) target_semaphore(%arg15 : memref<!tpu.dma_semaphore, #tpu.memory_space<semaphore_mem>>)
    %dma_start3A_14 = tpu.memref_slice %arg5[%add3A_4] : memref<32768xi32, #tpu.memory_space<hbm>> -> memref<256xi32, #tpu.memory_space<hbm>>
    %dma_start3A_15 = tpu.memref_slice %arg5[%add3A_4] : memref<32768xi32, #tpu.memory_space<hbm>> -> memref<256xi32, #tpu.memory_space<hbm>>
    tpu.enqueue_dma source(%dma_start3A_15 : memref<256xi32, #tpu.memory_space<hbm>>) target(%arg9 : memref<256xi32, #tpu.memory_space<vmem>>) target_semaphore(%arg15 : memref<!tpu.dma_semaphore, #tpu.memory_space<semaphore_mem>>)
    tpu.wait_dma2 semaphore(%arg15 : memref<!tpu.dma_semaphore, #tpu.memory_space<semaphore_mem>>) src(%arg3 : memref<16x512xf32, #tpu.memory_space<hbm>>) dst(%arg7 : memref<16x512xf32, #tpu.memory_space<vmem>>)
    tpu.wait_dma2 semaphore(%arg15 : memref<!tpu.dma_semaphore, #tpu.memory_space<semaphore_mem>>) src(%arg4 : memref<16xi32, #tpu.memory_space<hbm>>) dst(%arg8 : memref<16xi32, #tpu.memory_space<vmem>>)
    %dma_wait3A = tpu.memref_slice %arg5[%add3A_4] : memref<32768xi32, #tpu.memory_space<hbm>> -> memref<256xi32, #tpu.memory_space<hbm>>
    %dma_wait3A_16 = tpu.memref_slice %arg5[%add3A_4] : memref<32768xi32, #tpu.memory_space<hbm>> -> memref<256xi32, #tpu.memory_space<hbm>>
    tpu.wait_dma2 semaphore(%arg15 : memref<!tpu.dma_semaphore, #tpu.memory_space<semaphore_mem>>) src(%dma_wait3A_16 : memref<256xi32, #tpu.memory_space<hbm>>) dst(%arg9 : memref<256xi32, #tpu.memory_space<vmem>>)
    %scan3A = arith.constant 0 : i32
    %scan3A_17 = arith.constant 0 : i32
    %scan3A_18 = arith.constant 2 : i32
    %scan3A_19 = arith.addi %scan3A_17, %scan3A_18 : i32
    %scan3A_20 = arith.constant 1 : i32
    scf.for %scan3A_24 = %scan3A_17 to %scan3A_19 step %scan3A_20  : i32 {
      %mul3A_25 = arith.constant 2 : i32
      %mul3A_26 = arith.muli %mul3A_25, %scan3A_24 : i32
      %add3A_27 = arith.constant 0 : i32
      %add3A_28 = arith.addi %mul3A_26, %add3A_27 : i32
      %mul3A_29 = arith.constant 64 : i32
      %mul3A_30 = arith.muli %add3A_28, %mul3A_29 : i32
      %dma_wait3A_31 = arith.constant 0 : i32
      %dma_wait3A_32 = arith.constant 0 : i32
      %dma_wait3A_33 = tpu.memref_slice %arg2[%dma_wait3A_31, %dma_wait3A_32] : memref<32768x512xf32, #tpu.memory_space<hbm>> -> memref<64x512xf32, #tpu.memory_space<hbm>>
      %dma_wait3A_34 = arith.constant 0 : i32
      %dma_wait3A_35 = arith.constant 0 : i32
      %dma_wait3A_36 = tpu.memref_slice %arg2[%dma_wait3A_34, %dma_wait3A_35] : memref<32768x512xf32, #tpu.memory_space<hbm>> -> memref<64x512xf32, #tpu.memory_space<hbm>>
      tpu.wait_dma2 semaphore(%arg13 : memref<!tpu.dma_semaphore, #tpu.memory_space<semaphore_mem>>) src(%dma_wait3A_36 : memref<64x512xf32, #tpu.memory_space<hbm>>) dst(%arg11 : memref<64x512xf32, #tpu.memory_space<vmem>>)
      %scan3A_37 = arith.constant 0 : i32
      %scan3A_38 = arith.constant 0 : i32
      %scan3A_39 = arith.constant 4 : i32
      %scan3A_40 = arith.addi %scan3A_38, %scan3A_39 : i32
      %scan3A_41 = arith.constant 1 : i32
      scf.for %scan3A_70 = %scan3A_38 to %scan3A_40 step %scan3A_41  : i32 {
        %mul3A_71 = arith.constant 16 : i32
        %mul3A_72 = arith.muli %scan3A_70, %mul3A_71 : i32
        %add3A_73 = arith.addi %mul3A_30, %mul3A_72 : i32
        %get3A = arith.index_cast %add3A_73 : i32 to index
        %get3A_74 = tpu.vector_load %arg9[%get3A] {strides = array<i32>} : memref<256xi32, #tpu.memory_space<vmem>>, vector<16xi32>,
        %iota3A = tpu.iota {dimensions = array<i32: 0>} : vector<16xi32>
        %mul3A_75 = arith.constant 16 : i32
        %mul3A_76 = arith.muli %scan3A_70, %mul3A_75 : i32
        %add3A_77 = vector.broadcast %mul3A_76 : i32 to vector<16xi32>
        %add3A_78 = arith.addi %iota3A, %add3A_77 : vector<16xi32>
        %mul3A_79 = arith.constant 33 : i32
        %mul3A_80 = vector.broadcast %mul3A_79 : i32 to vector<16xi32>
        %mul3A_81 = arith.muli %iota3A, %mul3A_80 : vector<16xi32>
        %and3A = arith.constant 511 : i32
        %and3A_82 = vector.broadcast %and3A : i32 to vector<16xi32>
        %and3A_83 = arith.andi %mul3A_81, %and3A_82 : vector<16xi32>
        %broadcast_in_dim3A = arith.constant 0.000000e+00 : f32
        %broadcast_in_dim3A_84 = vector.broadcast %broadcast_in_dim3A : f32 to vector<16xf32>
        %broadcast_in_dim3A_85 = arith.constant 0.000000e+00 : f32
        %broadcast_in_dim3A_86 = vector.broadcast %broadcast_in_dim3A_85 : f32 to vector<16xf32>
        %broadcast_in_dim3A_87 = arith.constant 0.000000e+00 : f32
        %broadcast_in_dim3A_88 = vector.broadcast %broadcast_in_dim3A_87 : f32 to vector<16xf32>
        %broadcast_in_dim3A_89 = arith.constant 0.000000e+00 : f32
        %broadcast_in_dim3A_90 = vector.broadcast %broadcast_in_dim3A_89 : f32 to vector<16xf32>
        %scan3A_91 = arith.constant 0 : i32
        %scan3A_92 = arith.constant 32 : i32
        %scan3A_93 = arith.addi %scan3A_91, %scan3A_92 : i32
        %scan3A_94 = arith.constant 1 : i32
        %scan3A_95:5 = scf.for %scan3A_161 = %scan3A_91 to %scan3A_93 step %scan3A_94 iter_args(%scan3A_162 = %broadcast_in_dim3A_84, %scan3A_163 = %broadcast_in_dim3A_86, %scan3A_164 = %broadcast_in_dim3A_88, %scan3A_165 = %broadcast_in_dim3A_90, %scan3A_166 = %and3A_83) -> (vector<16xf32>, vector<16xf32>, vector<16xf32>, vector<16xf32>, vector<16xi32>)  : i32 {
          %gather3A_167 = tpu.vector_load_idx %arg11[%add3A_78, %scan3A_166] : memref<64x512xf32, #tpu.memory_space<vmem>>[vector<16xi32>, vector<16xi32>], vector<16xf32>,
          %gather3A_168 = tpu.vector_load_idx %arg7[%get3A_74, %scan3A_166] : memref<16x512xf32, #tpu.memory_space<vmem>>[vector<16xi32>, vector<16xi32>], vector<16xf32>,
          %mul3A_169 = arith.mulf %gather3A_167, %gather3A_168 : vector<16xf32>
          %add3A_170 = arith.addf %scan3A_162, %mul3A_169 : vector<16xf32>
          %add3A_171 = arith.constant 1 : i32
          %add3A_172 = vector.broadcast %add3A_171 : i32 to vector<16xi32>
          %add3A_173 = arith.addi %scan3A_166, %add3A_172 : vector<16xi32>
          %and3A_174 = arith.constant 511 : i32
          %and3A_175 = vector.broadcast %and3A_174 : i32 to vector<16xi32>
          %and3A_176 = arith.andi %add3A_173, %and3A_175 : vector<16xi32>
          %gather3A_177 = tpu.vector_load_idx %arg11[%add3A_78, %and3A_176] : memref<64x512xf32, #tpu.memory_space<vmem>>[vector<16xi32>, vector<16xi32>], vector<16xf32>,
          %gather3A_178 = tpu.vector_load_idx %arg7[%get3A_74, %and3A_176] : memref<16x512xf32, #tpu.memory_space<vmem>>[vector<16xi32>, vector<16xi32>], vector<16xf32>,
          %mul3A_179 = arith.mulf %gather3A_177, %gather3A_178 : vector<16xf32>
          %add3A_180 = arith.addf %scan3A_163, %mul3A_179 : vector<16xf32>
          %add3A_181 = arith.constant 1 : i32
          %add3A_182 = vector.broadcast %add3A_181 : i32 to vector<16xi32>
          %add3A_183 = arith.addi %and3A_176, %add3A_182 : vector<16xi32>
          %and3A_184 = arith.constant 511 : i32
          %and3A_185 = vector.broadcast %and3A_184 : i32 to vector<16xi32>
          %and3A_186 = arith.andi %add3A_183, %and3A_185 : vector<16xi32>
          %gather3A_187 = tpu.vector_load_idx %arg11[%add3A_78, %and3A_186] : memref<64x512xf32, #tpu.memory_space<vmem>>[vector<16xi32>, vector<16xi32>], vector<16xf32>,
          %gather3A_188 = tpu.vector_load_idx %arg7[%get3A_74, %and3A_186] : memref<16x512xf32, #tpu.memory_space<vmem>>[vector<16xi32>, vector<16xi32>], vector<16xf32>,
          %mul3A_189 = arith.mulf %gather3A_187, %gather3A_188 : vector<16xf32>
          %add3A_190 = arith.addf %scan3A_164, %mul3A_189 : vector<16xf32>
          %add3A_191 = arith.constant 1 : i32
          %add3A_192 = vector.broadcast %add3A_191 : i32 to vector<16xi32>
          %add3A_193 = arith.addi %and3A_186, %add3A_192 : vector<16xi32>
          %and3A_194 = arith.constant 511 : i32
          %and3A_195 = vector.broadcast %and3A_194 : i32 to vector<16xi32>
          %and3A_196 = arith.andi %add3A_193, %and3A_195 : vector<16xi32>
          %gather3A_197 = tpu.vector_load_idx %arg11[%add3A_78, %and3A_196] : memref<64x512xf32, #tpu.memory_space<vmem>>[vector<16xi32>, vector<16xi32>], vector<16xf32>,
          %gather3A_198 = tpu.vector_load_idx %arg7[%get3A_74, %and3A_196] : memref<16x512xf32, #tpu.memory_space<vmem>>[vector<16xi32>, vector<16xi32>], vector<16xf32>,
          %mul3A_199 = arith.mulf %gather3A_197, %gather3A_198 : vector<16xf32>
          %add3A_200 = arith.addf %scan3A_165, %mul3A_199 : vector<16xf32>
          %add3A_201 = arith.constant 1 : i32
          %add3A_202 = vector.broadcast %add3A_201 : i32 to vector<16xi32>
          %add3A_203 = arith.addi %and3A_196, %add3A_202 : vector<16xi32>
          %and3A_204 = arith.constant 511 : i32
          %and3A_205 = vector.broadcast %and3A_204 : i32 to vector<16xi32>
          %and3A_206 = arith.andi %add3A_203, %and3A_205 : vector<16xi32>
          %gather3A_207 = tpu.vector_load_idx %arg11[%add3A_78, %and3A_206] : memref<64x512xf32, #tpu.memory_space<vmem>>[vector<16xi32>, vector<16xi32>], vector<16xf32>,
          %gather3A_208 = tpu.vector_load_idx %arg7[%get3A_74, %and3A_206] : memref<16x512xf32, #tpu.memory_space<vmem>>[vector<16xi32>, vector<16xi32>], vector<16xf32>,
          %mul3A_209 = arith.mulf %gather3A_207, %gather3A_208 : vector<16xf32>
          %add3A_210 = arith.addf %add3A_170, %mul3A_209 : vector<16xf32>
          %add3A_211 = arith.constant 1 : i32
          %add3A_212 = vector.broadcast %add3A_211 : i32 to vector<16xi32>
          %add3A_213 = arith.addi %and3A_206, %add3A_212 : vector<16xi32>
          %and3A_214 = arith.constant 511 : i32
          %and3A_215 = vector.broadcast %and3A_214 : i32 to vector<16xi32>
          %and3A_216 = arith.andi %add3A_213, %and3A_215 : vector<16xi32>
          %gather3A_217 = tpu.vector_load_idx %arg11[%add3A_78, %and3A_216] : memref<64x512xf32, #tpu.memory_space<vmem>>[vector<16xi32>, vector<16xi32>], vector<16xf32>,
          %gather3A_218 = tpu.vector_load_idx %arg7[%get3A_74, %and3A_216] : memref<16x512xf32, #tpu.memory_space<vmem>>[vector<16xi32>, vector<16xi32>], vector<16xf32>,
          %mul3A_219 = arith.mulf %gather3A_217, %gather3A_218 : vector<16xf32>
          %add3A_220 = arith.addf %add3A_180, %mul3A_219 : vector<16xf32>
          %add3A_221 = arith.constant 1 : i32
          %add3A_222 = vector.broadcast %add3A_221 : i32 to vector<16xi32>
          %add3A_223 = arith.addi %and3A_216, %add3A_222 : vector<16xi32>
          %and3A_224 = arith.constant 511 : i32
          %and3A_225 = vector.broadcast %and3A_224 : i32 to vector<16xi32>
          %and3A_226 = arith.andi %add3A_223, %and3A_225 : vector<16xi32>
          %gather3A_227 = tpu.vector_load_idx %arg11[%add3A_78, %and3A_226] : memref<64x512xf32, #tpu.memory_space<vmem>>[vector<16xi32>, vector<16xi32>], vector<16xf32>,
          %gather3A_228 = tpu.vector_load_idx %arg7[%get3A_74, %and3A_226] : memref<16x512xf32, #tpu.memory_space<vmem>>[vector<16xi32>, vector<16xi32>], vector<16xf32>,
          %mul3A_229 = arith.mulf %gather3A_227, %gather3A_228 : vector<16xf32>
          %add3A_230 = arith.addf %add3A_190, %mul3A_229 : vector<16xf32>
          %add3A_231 = arith.constant 1 : i32
          %add3A_232 = vector.broadcast %add3A_231 : i32 to vector<16xi32>
          %add3A_233 = arith.addi %and3A_226, %add3A_232 : vector<16xi32>
          %and3A_234 = arith.constant 511 : i32
          %and3A_235 = vector.broadcast %and3A_234 : i32 to vector<16xi32>
          %and3A_236 = arith.andi %add3A_233, %and3A_235 : vector<16xi32>
          %gather3A_237 = tpu.vector_load_idx %arg11[%add3A_78, %and3A_236] : memref<64x512xf32, #tpu.memory_space<vmem>>[vector<16xi32>, vector<16xi32>], vector<16xf32>,
          %gather3A_238 = tpu.vector_load_idx %arg7[%get3A_74, %and3A_236] : memref<16x512xf32, #tpu.memory_space<vmem>>[vector<16xi32>, vector<16xi32>], vector<16xf32>,
          %mul3A_239 = arith.mulf %gather3A_237, %gather3A_238 : vector<16xf32>
          %add3A_240 = arith.addf %add3A_200, %mul3A_239 : vector<16xf32>
          %add3A_241 = arith.constant 1 : i32
          %add3A_242 = vector.broadcast %add3A_241 : i32 to vector<16xi32>
          %add3A_243 = arith.addi %and3A_236, %add3A_242 : vector<16xi32>
          %and3A_244 = arith.constant 511 : i32
          %and3A_245 = vector.broadcast %and3A_244 : i32 to vector<16xi32>
          %and3A_246 = arith.andi %add3A_243, %and3A_245 : vector<16xi32>
          %gather3A_247 = tpu.vector_load_idx %arg11[%add3A_78, %and3A_246] : memref<64x512xf32, #tpu.memory_space<vmem>>[vector<16xi32>, vector<16xi32>], vector<16xf32>,
          %gather3A_248 = tpu.vector_load_idx %arg7[%get3A_74, %and3A_246] : memref<16x512xf32, #tpu.memory_space<vmem>>[vector<16xi32>, vector<16xi32>], vector<16xf32>,
          %mul3A_249 = arith.mulf %gather3A_247, %gather3A_248 : vector<16xf32>
          %add3A_250 = arith.addf %add3A_210, %mul3A_249 : vector<16xf32>
          %add3A_251 = arith.constant 1 : i32
          %add3A_252 = vector.broadcast %add3A_251 : i32 to vector<16xi32>
          %add3A_253 = arith.addi %and3A_246, %add3A_252 : vector<16xi32>
          %and3A_254 = arith.constant 511 : i32
          %and3A_255 = vector.broadcast %and3A_254 : i32 to vector<16xi32>
          %and3A_256 = arith.andi %add3A_253, %and3A_255 : vector<16xi32>
          %gather3A_257 = tpu.vector_load_idx %arg11[%add3A_78, %and3A_256] : memref<64x512xf32, #tpu.memory_space<vmem>>[vector<16xi32>, vector<16xi32>], vector<16xf32>,
          %gather3A_258 = tpu.vector_load_idx %arg7[%get3A_74, %and3A_256] : memref<16x512xf32, #tpu.memory_space<vmem>>[vector<16xi32>, vector<16xi32>], vector<16xf32>,
          %mul3A_259 = arith.mulf %gather3A_257, %gather3A_258 : vector<16xf32>
          %add3A_260 = arith.addf %add3A_220, %mul3A_259 : vector<16xf32>
          %add3A_261 = arith.constant 1 : i32
          %add3A_262 = vector.broadcast %add3A_261 : i32 to vector<16xi32>
          %add3A_263 = arith.addi %and3A_256, %add3A_262 : vector<16xi32>
          %and3A_264 = arith.constant 511 : i32
          %and3A_265 = vector.broadcast %and3A_264 : i32 to vector<16xi32>
          %and3A_266 = arith.andi %add3A_263, %and3A_265 : vector<16xi32>
          %gather3A_267 = tpu.vector_load_idx %arg11[%add3A_78, %and3A_266] : memref<64x512xf32, #tpu.memory_space<vmem>>[vector<16xi32>, vector<16xi32>], vector<16xf32>,
          %gather3A_268 = tpu.vector_load_idx %arg7[%get3A_74, %and3A_266] : memref<16x512xf32, #tpu.memory_space<vmem>>[vector<16xi32>, vector<16xi32>], vector<16xf32>,
          %mul3A_269 = arith.mulf %gather3A_267, %gather3A_268 : vector<16xf32>
          %add3A_270 = arith.addf %add3A_230, %mul3A_269 : vector<16xf32>
          %add3A_271 = arith.constant 1 : i32
          %add3A_272 = vector.broadcast %add3A_271 : i32 to vector<16xi32>
          %add3A_273 = arith.addi %and3A_266, %add3A_272 : vector<16xi32>
          %and3A_274 = arith.constant 511 : i32
          %and3A_275 = vector.broadcast %and3A_274 : i32 to vector<16xi32>
          %and3A_276 = arith.andi %add3A_273, %and3A_275 : vector<16xi32>
          %gather3A_277 = tpu.vector_load_idx %arg11[%add3A_78, %and3A_276] : memref<64x512xf32, #tpu.memory_space<vmem>>[vector<16xi32>, vector<16xi32>], vector<16xf32>,
          %gather3A_278 = tpu.vector_load_idx %arg7[%get3A_74, %and3A_276] : memref<16x512xf32, #tpu.memory_space<vmem>>[vector<16xi32>, vector<16xi32>], vector<16xf32>,
          %mul3A_279 = arith.mulf %gather3A_277, %gather3A_278 : vector<16xf32>
          %add3A_280 = arith.addf %add3A_240, %mul3A_279 : vector<16xf32>
          %add3A_281 = arith.constant 1 : i32
          %add3A_282 = vector.broadcast %add3A_281 : i32 to vector<16xi32>
          %add3A_283 = arith.addi %and3A_276, %add3A_282 : vector<16xi32>
          %and3A_284 = arith.constant 511 : i32
          %and3A_285 = vector.broadcast %and3A_284 : i32 to vector<16xi32>
          %and3A_286 = arith.andi %add3A_283, %and3A_285 : vector<16xi32>
          %gather3A_287 = tpu.vector_load_idx %arg11[%add3A_78, %and3A_286] : memref<64x512xf32, #tpu.memory_space<vmem>>[vector<16xi32>, vector<16xi32>], vector<16xf32>,
          %gather3A_288 = tpu.vector_load_idx %arg7[%get3A_74, %and3A_286] : memref<16x512xf32, #tpu.memory_space<vmem>>[vector<16xi32>, vector<16xi32>], vector<16xf32>,
          %mul3A_289 = arith.mulf %gather3A_287, %gather3A_288 : vector<16xf32>
          %add3A_290 = arith.addf %add3A_250, %mul3A_289 : vector<16xf32>
          %add3A_291 = arith.constant 1 : i32
          %add3A_292 = vector.broadcast %add3A_291 : i32 to vector<16xi32>
          %add3A_293 = arith.addi %and3A_286, %add3A_292 : vector<16xi32>
          %and3A_294 = arith.constant 511 : i32
          %and3A_295 = vector.broadcast %and3A_294 : i32 to vector<16xi32>
          %and3A_296 = arith.andi %add3A_293, %and3A_295 : vector<16xi32>
          %gather3A_297 = tpu.vector_load_idx %arg11[%add3A_78, %and3A_296] : memref<64x512xf32, #tpu.memory_space<vmem>>[vector<16xi32>, vector<16xi32>], vector<16xf32>,
          %gather3A_298 = tpu.vector_load_idx %arg7[%get3A_74, %and3A_296] : memref<16x512xf32, #tpu.memory_space<vmem>>[vector<16xi32>, vector<16xi32>], vector<16xf32>,
          %mul3A_299 = arith.mulf %gather3A_297, %gather3A_298 : vector<16xf32>
          %add3A_300 = arith.addf %add3A_260, %mul3A_299 : vector<16xf32>
          %add3A_301 = arith.constant 1 : i32
          %add3A_302 = vector.broadcast %add3A_301 : i32 to vector<16xi32>
          %add3A_303 = arith.addi %and3A_296, %add3A_302 : vector<16xi32>
          %and3A_304 = arith.constant 511 : i32
          %and3A_305 = vector.broadcast %and3A_304 : i32 to vector<16xi32>
          %and3A_306 = arith.andi %add3A_303, %and3A_305 : vector<16xi32>
          %gather3A_307 = tpu.vector_load_idx %arg11[%add3A_78, %and3A_306] : memref<64x512xf32, #tpu.memory_space<vmem>>[vector<16xi32>, vector<16xi32>], vector<16xf32>,
          %gather3A_308 = tpu.vector_load_idx %arg7[%get3A_74, %and3A_306] : memref<16x512xf32, #tpu.memory_space<vmem>>[vector<16xi32>, vector<16xi32>], vector<16xf32>,
          %mul3A_309 = arith.mulf %gather3A_307, %gather3A_308 : vector<16xf32>
          %add3A_310 = arith.addf %add3A_270, %mul3A_309 : vector<16xf32>
          %add3A_311 = arith.constant 1 : i32
          %add3A_312 = vector.broadcast %add3A_311 : i32 to vector<16xi32>
          %add3A_313 = arith.addi %and3A_306, %add3A_312 : vector<16xi32>
          %and3A_314 = arith.constant 511 : i32
          %and3A_315 = vector.broadcast %and3A_314 : i32 to vector<16xi32>
          %and3A_316 = arith.andi %add3A_313, %and3A_315 : vector<16xi32>
          %gather3A_317 = tpu.vector_load_idx %arg11[%add3A_78, %and3A_316] : memref<64x512xf32, #tpu.memory_space<vmem>>[vector<16xi32>, vector<16xi32>], vector<16xf32>,
          %gather3A_318 = tpu.vector_load_idx %arg7[%get3A_74, %and3A_316] : memref<16x512xf32, #tpu.memory_space<vmem>>[vector<16xi32>, vector<16xi32>], vector<16xf32>,
          %mul3A_319 = arith.mulf %gather3A_317, %gather3A_318 : vector<16xf32>
          %add3A_320 = arith.addf %add3A_280, %mul3A_319 : vector<16xf32>
          %add3A_321 = arith.constant 1 : i32
          %add3A_322 = vector.broadcast %add3A_321 : i32 to vector<16xi32>
          %add3A_323 = arith.addi %and3A_316, %add3A_322 : vector<16xi32>
          %and3A_324 = arith.constant 511 : i32
          %and3A_325 = vector.broadcast %and3A_324 : i32 to vector<16xi32>
          %and3A_326 = arith.andi %add3A_323, %and3A_325 : vector<16xi32>
          scf.yield %add3A_290, %add3A_300, %add3A_310, %add3A_320, %and3A_326 : vector<16xf32>, vector<16xf32>, vector<16xf32>, vector<16xf32>, vector<16xi32>
        }
        %scan3A_96 = arith.constant 32 : i32
        %add3A_97 = arith.addf %scan3A_95#0, %scan3A_95#1 : vector<16xf32>
        %add3A_98 = arith.addf %scan3A_95#2, %scan3A_95#3 : vector<16xf32>
        %add3A_99 = arith.addf %add3A_97, %add3A_98 : vector<16xf32>
        %gather3A = tpu.vector_load_idx %arg8[%get3A_74] : memref<16xi32, #tpu.memory_space<vmem>>[vector<16xi32>], vector<16xi32>,
        %gt3A = arith.constant 0 : i32
        %gt3A_100 = vector.broadcast %gt3A : i32 to vector<16xi32>
        %gt3A_101 = arith.cmpi sgt, %gather3A, %gt3A_100 : vector<16xi32>
        %jit3A = arith.constant 1.000000e+00 : f32
        %broadcast_in_dim3A_102 = vector.broadcast %jit3A : f32 to vector<16xf32>
        %select_n3A = arith.select %gt3A_101, %add3A_99, %broadcast_in_dim3A_102 : vector<16xi1>, vector<16xf32>
        %bitcast_convert_type3A = tpu.bitcast %select_n3A : vector<16xf32> -> vector<16xi32>
        %shift_right_arithmetic3A = arith.constant 23 : i32
        %shift_right_arithmetic3A_103 = vector.broadcast %shift_right_arithmetic3A : i32 to vector<16xi32>
        %shift_right_arithmetic3A_104 = arith.shrsi %bitcast_convert_type3A, %shift_right_arithmetic3A_103 : vector<16xi32>
        %and3A_105 = arith.constant 255 : i32
        %and3A_106 = vector.broadcast %and3A_105 : i32 to vector<16xi32>
        %and3A_107 = arith.andi %shift_right_arithmetic3A_104, %and3A_106 : vector<16xi32>
        %sub3A = arith.constant 127 : i32
        %sub3A_108 = vector.broadcast %sub3A : i32 to vector<16xi32>
        %sub3A_109 = arith.subi %and3A_107, %sub3A_108 : vector<16xi32>
        %and3A_110 = arith.constant 8388607 : i32
        %and3A_111 = vector.broadcast %and3A_110 : i32 to vector<16xi32>
        %and3A_112 = arith.andi %bitcast_convert_type3A, %and3A_111 : vector<16xi32>
        %or3A = arith.constant 1065353216 : i32
        %or3A_113 = vector.broadcast %or3A : i32 to vector<16xi32>
        %or3A_114 = arith.ori %and3A_112, %or3A_113 : vector<16xi32>
        %bitcast_convert_type3A_115 = tpu.bitcast %or3A_114 : vector<16xi32> -> vector<16xf32>
        %gt3A_116 = arith.constant 1.41421354 : f32
        %gt3A_117 = vector.broadcast %gt3A_116 : f32 to vector<16xf32>
        %gt3A_118 = arith.cmpf ogt, %bitcast_convert_type3A_115, %gt3A_117 : vector<16xf32>
        %add3A_119 = arith.constant 1 : i32
        %add3A_120 = vector.broadcast %add3A_119 : i32 to vector<16xi32>
        %add3A_121 = arith.addi %sub3A_109, %add3A_120 : vector<16xi32>
        %select_n3A_122 = arith.select %gt3A_118, %add3A_121, %sub3A_109 : vector<16xi1>, vector<16xi32>
        %mul3A_123 = arith.constant 5.000000e-01 : f32
        %mul3A_124 = vector.broadcast %mul3A_123 : f32 to vector<16xf32>
        %mul3A_125 = arith.mulf %bitcast_convert_type3A_115, %mul3A_124 : vector<16xf32>
        %select_n3A_126 = arith.select %gt3A_118, %mul3A_125, %bitcast_convert_type3A_115 : vector<16xi1>, vector<16xf32>
        %sub3A_127 = arith.constant 1.000000e+00 : f32
        %sub3A_128 = vector.broadcast %sub3A_127 : f32 to vector<16xf32>
        %sub3A_129 = arith.subf %select_n3A_126, %sub3A_128 : vector<16xf32>
        %add3A_130 = arith.constant 1.000000e+00 : f32
        %add3A_131 = vector.broadcast %add3A_130 : f32 to vector<16xf32>
        %add3A_132 = arith.addf %select_n3A_126, %add3A_131 : vector<16xf32>
        %div3A = arith.divf %sub3A_129, %add3A_132 : vector<16xf32>
        %mul3A_133 = arith.mulf %div3A, %div3A : vector<16xf32>
        %mul3A_134 = arith.constant 0.142857149 : f32
        %mul3A_135 = vector.broadcast %mul3A_134 : f32 to vector<16xf32>
        %mul3A_136 = arith.mulf %mul3A_133, %mul3A_135 : vector<16xf32>
        %add3A_137 = arith.constant 2.000000e-01 : f32
        %add3A_138 = vector.broadcast %add3A_137 : f32 to vector<16xf32>
        %add3A_139 = arith.addf %add3A_138, %mul3A_136 : vector<16xf32>
        %mul3A_140 = arith.mulf %mul3A_133, %add3A_139 : vector<16xf32>
        %add3A_141 = arith.constant 0.333333343 : f32
        %add3A_142 = vector.broadcast %add3A_141 : f32 to vector<16xf32>
        %add3A_143 = arith.addf %add3A_142, %mul3A_140 : vector<16xf32>
        %mul3A_144 = arith.mulf %mul3A_133, %add3A_143 : vector<16xf32>
        %add3A_145 = arith.constant 1.000000e+00 : f32
        %add3A_146 = vector.broadcast %add3A_145 : f32 to vector<16xf32>
        %add3A_147 = arith.addf %add3A_146, %mul3A_144 : vector<16xf32>
        %convert_element_type3A_148 = arith.sitofp %select_n3A_122 : vector<16xi32> to vector<16xf32>
        %mul3A_149 = arith.constant 0.693147182 : f32
        %mul3A_150 = vector.broadcast %mul3A_149 : f32 to vector<16xf32>
        %mul3A_151 = arith.mulf %convert_element_type3A_148, %mul3A_150 : vector<16xf32>
        %mul3A_152 = arith.constant 2.000000e+00 : f32
        %mul3A_153 = vector.broadcast %mul3A_152 : f32 to vector<16xf32>
        %mul3A_154 = arith.mulf %mul3A_153, %div3A : vector<16xf32>
        %mul3A_155 = arith.mulf %mul3A_154, %add3A_147 : vector<16xf32>
        %add3A_156 = arith.addf %mul3A_151, %mul3A_155 : vector<16xf32>
        %jit3A_157 = arith.constant 0.000000e+00 : f32
        %broadcast_in_dim3A_158 = vector.broadcast %jit3A_157 : f32 to vector<16xf32>
        %select_n3A_159 = arith.select %gt3A_101, %add3A_156, %broadcast_in_dim3A_158 : vector<16xi1>, vector<16xf32>
        %swap3A = arith.index_cast %add3A_73 : i32 to index
        %swap3A_160 = tpu.vector_load %arg10[%swap3A] {strides = array<i32>} : memref<256xf32, #tpu.memory_space<vmem>>, vector<16xf32>,
        tpu.vector_store %arg10[%swap3A], %select_n3A_159 {strides = array<i32>} : memref<256xf32, #tpu.memory_space<vmem>>, vector<16xf32>,
      }
      %scan3A_42 = arith.constant 4 : i32
      %add3A_43 = arith.constant 2 : i32
      %add3A_44 = arith.addi %add3A_28, %add3A_43 : i32
      %lt3A = arith.constant 4 : i32
      %lt3A_45 = arith.cmpi slt, %add3A_44, %lt3A : i32
      %convert_element_type3A = arith.extui %lt3A_45 : i1 to i32
      %cond3A = arith.constant 0 : i32
      %cond3A_46 = arith.cmpi ne, %convert_element_type3A, %cond3A : i32
      scf.if %cond3A_46 {
        %add3A_70 = arith.constant 2 : i32
        %add3A_71 = arith.addi %add3A_28, %add3A_70 : i32
        %mul3A_72 = arith.constant 64 : i32
        %mul3A_73 = arith.muli %add3A_71, %mul3A_72 : i32
        %add3A_74 = arith.addi %add3A_4, %mul3A_73 : i32
        %dma_start3A_75 = arith.constant 0 : i32
        %dma_start3A_76 = tpu.memref_slice %arg2[%add3A_74, %dma_start3A_75] : memref<32768x512xf32, #tpu.memory_space<hbm>> -> memref<64x512xf32, #tpu.memory_space<hbm>>
        %dma_start3A_77 = arith.constant 0 : i32
        %dma_start3A_78 = tpu.memref_slice %arg2[%add3A_74, %dma_start3A_77] : memref<32768x512xf32, #tpu.memory_space<hbm>> -> memref<64x512xf32, #tpu.memory_space<hbm>>
        tpu.enqueue_dma source(%dma_start3A_78 : memref<64x512xf32, #tpu.memory_space<hbm>>) target(%arg11 : memref<64x512xf32, #tpu.memory_space<vmem>>) target_semaphore(%arg13 : memref<!tpu.dma_semaphore, #tpu.memory_space<semaphore_mem>>)
      } else {
      }
      %add3A_47 = arith.constant 1 : i32
      %add3A_48 = arith.addi %mul3A_26, %add3A_47 : i32
      %mul3A_49 = arith.constant 64 : i32
      %mul3A_50 = arith.muli %add3A_48, %mul3A_49 : i32
      %dma_wait3A_51 = arith.constant 0 : i32
      %dma_wait3A_52 = arith.constant 0 : i32
      %dma_wait3A_53 = tpu.memref_slice %arg2[%dma_wait3A_51, %dma_wait3A_52] : memref<32768x512xf32, #tpu.memory_space<hbm>> -> memref<64x512xf32, #tpu.memory_space<hbm>>
      %dma_wait3A_54 = arith.constant 0 : i32
      %dma_wait3A_55 = arith.constant 0 : i32
      %dma_wait3A_56 = tpu.memref_slice %arg2[%dma_wait3A_54, %dma_wait3A_55] : memref<32768x512xf32, #tpu.memory_space<hbm>> -> memref<64x512xf32, #tpu.memory_space<hbm>>
      tpu.wait_dma2 semaphore(%arg14 : memref<!tpu.dma_semaphore, #tpu.memory_space<semaphore_mem>>) src(%dma_wait3A_56 : memref<64x512xf32, #tpu.memory_space<hbm>>) dst(%arg12 : memref<64x512xf32, #tpu.memory_space<vmem>>)
      %scan3A_57 = arith.constant 0 : i32
      %scan3A_58 = arith.constant 0 : i32
      %scan3A_59 = arith.constant 4 : i32
      %scan3A_60 = arith.addi %scan3A_58, %scan3A_59 : i32
      %scan3A_61 = arith.constant 1 : i32
      scf.for %scan3A_70 = %scan3A_58 to %scan3A_60 step %scan3A_61  : i32 {
        %mul3A_71 = arith.constant 16 : i32
        %mul3A_72 = arith.muli %scan3A_70, %mul3A_71 : i32
        %add3A_73 = arith.addi %mul3A_50, %mul3A_72 : i32
        %get3A = arith.index_cast %add3A_73 : i32 to index
        %get3A_74 = tpu.vector_load %arg9[%get3A] {strides = array<i32>} : memref<256xi32, #tpu.memory_space<vmem>>, vector<16xi32>,
        %iota3A = tpu.iota {dimensions = array<i32: 0>} : vector<16xi32>
        %mul3A_75 = arith.constant 16 : i32
        %mul3A_76 = arith.muli %scan3A_70, %mul3A_75 : i32
        %add3A_77 = vector.broadcast %mul3A_76 : i32 to vector<16xi32>
        %add3A_78 = arith.addi %iota3A, %add3A_77 : vector<16xi32>
        %mul3A_79 = arith.constant 33 : i32
        %mul3A_80 = vector.broadcast %mul3A_79 : i32 to vector<16xi32>
        %mul3A_81 = arith.muli %iota3A, %mul3A_80 : vector<16xi32>
        %and3A = arith.constant 511 : i32
        %and3A_82 = vector.broadcast %and3A : i32 to vector<16xi32>
        %and3A_83 = arith.andi %mul3A_81, %and3A_82 : vector<16xi32>
        %broadcast_in_dim3A = arith.constant 0.000000e+00 : f32
        %broadcast_in_dim3A_84 = vector.broadcast %broadcast_in_dim3A : f32 to vector<16xf32>
        %broadcast_in_dim3A_85 = arith.constant 0.000000e+00 : f32
        %broadcast_in_dim3A_86 = vector.broadcast %broadcast_in_dim3A_85 : f32 to vector<16xf32>
        %broadcast_in_dim3A_87 = arith.constant 0.000000e+00 : f32
        %broadcast_in_dim3A_88 = vector.broadcast %broadcast_in_dim3A_87 : f32 to vector<16xf32>
        %broadcast_in_dim3A_89 = arith.constant 0.000000e+00 : f32
        %broadcast_in_dim3A_90 = vector.broadcast %broadcast_in_dim3A_89 : f32 to vector<16xf32>
        %scan3A_91 = arith.constant 0 : i32
        %scan3A_92 = arith.constant 32 : i32
        %scan3A_93 = arith.addi %scan3A_91, %scan3A_92 : i32
        %scan3A_94 = arith.constant 1 : i32
        %scan3A_95:5 = scf.for %scan3A_161 = %scan3A_91 to %scan3A_93 step %scan3A_94 iter_args(%scan3A_162 = %broadcast_in_dim3A_84, %scan3A_163 = %broadcast_in_dim3A_86, %scan3A_164 = %broadcast_in_dim3A_88, %scan3A_165 = %broadcast_in_dim3A_90, %scan3A_166 = %and3A_83) -> (vector<16xf32>, vector<16xf32>, vector<16xf32>, vector<16xf32>, vector<16xi32>)  : i32 {
          %gather3A_167 = tpu.vector_load_idx %arg12[%add3A_78, %scan3A_166] : memref<64x512xf32, #tpu.memory_space<vmem>>[vector<16xi32>, vector<16xi32>], vector<16xf32>,
          %gather3A_168 = tpu.vector_load_idx %arg7[%get3A_74, %scan3A_166] : memref<16x512xf32, #tpu.memory_space<vmem>>[vector<16xi32>, vector<16xi32>], vector<16xf32>,
          %mul3A_169 = arith.mulf %gather3A_167, %gather3A_168 : vector<16xf32>
          %add3A_170 = arith.addf %scan3A_162, %mul3A_169 : vector<16xf32>
          %add3A_171 = arith.constant 1 : i32
          %add3A_172 = vector.broadcast %add3A_171 : i32 to vector<16xi32>
          %add3A_173 = arith.addi %scan3A_166, %add3A_172 : vector<16xi32>
          %and3A_174 = arith.constant 511 : i32
          %and3A_175 = vector.broadcast %and3A_174 : i32 to vector<16xi32>
          %and3A_176 = arith.andi %add3A_173, %and3A_175 : vector<16xi32>
          %gather3A_177 = tpu.vector_load_idx %arg12[%add3A_78, %and3A_176] : memref<64x512xf32, #tpu.memory_space<vmem>>[vector<16xi32>, vector<16xi32>], vector<16xf32>,
          %gather3A_178 = tpu.vector_load_idx %arg7[%get3A_74, %and3A_176] : memref<16x512xf32, #tpu.memory_space<vmem>>[vector<16xi32>, vector<16xi32>], vector<16xf32>,
          %mul3A_179 = arith.mulf %gather3A_177, %gather3A_178 : vector<16xf32>
          %add3A_180 = arith.addf %scan3A_163, %mul3A_179 : vector<16xf32>
          %add3A_181 = arith.constant 1 : i32
          %add3A_182 = vector.broadcast %add3A_181 : i32 to vector<16xi32>
          %add3A_183 = arith.addi %and3A_176, %add3A_182 : vector<16xi32>
          %and3A_184 = arith.constant 511 : i32
          %and3A_185 = vector.broadcast %and3A_184 : i32 to vector<16xi32>
          %and3A_186 = arith.andi %add3A_183, %and3A_185 : vector<16xi32>
          %gather3A_187 = tpu.vector_load_idx %arg12[%add3A_78, %and3A_186] : memref<64x512xf32, #tpu.memory_space<vmem>>[vector<16xi32>, vector<16xi32>], vector<16xf32>,
          %gather3A_188 = tpu.vector_load_idx %arg7[%get3A_74, %and3A_186] : memref<16x512xf32, #tpu.memory_space<vmem>>[vector<16xi32>, vector<16xi32>], vector<16xf32>,
          %mul3A_189 = arith.mulf %gather3A_187, %gather3A_188 : vector<16xf32>
          %add3A_190 = arith.addf %scan3A_164, %mul3A_189 : vector<16xf32>
          %add3A_191 = arith.constant 1 : i32
          %add3A_192 = vector.broadcast %add3A_191 : i32 to vector<16xi32>
          %add3A_193 = arith.addi %and3A_186, %add3A_192 : vector<16xi32>
          %and3A_194 = arith.constant 511 : i32
          %and3A_195 = vector.broadcast %and3A_194 : i32 to vector<16xi32>
          %and3A_196 = arith.andi %add3A_193, %and3A_195 : vector<16xi32>
          %gather3A_197 = tpu.vector_load_idx %arg12[%add3A_78, %and3A_196] : memref<64x512xf32, #tpu.memory_space<vmem>>[vector<16xi32>, vector<16xi32>], vector<16xf32>,
          %gather3A_198 = tpu.vector_load_idx %arg7[%get3A_74, %and3A_196] : memref<16x512xf32, #tpu.memory_space<vmem>>[vector<16xi32>, vector<16xi32>], vector<16xf32>,
          %mul3A_199 = arith.mulf %gather3A_197, %gather3A_198 : vector<16xf32>
          %add3A_200 = arith.addf %scan3A_165, %mul3A_199 : vector<16xf32>
          %add3A_201 = arith.constant 1 : i32
          %add3A_202 = vector.broadcast %add3A_201 : i32 to vector<16xi32>
          %add3A_203 = arith.addi %and3A_196, %add3A_202 : vector<16xi32>
          %and3A_204 = arith.constant 511 : i32
          %and3A_205 = vector.broadcast %and3A_204 : i32 to vector<16xi32>
          %and3A_206 = arith.andi %add3A_203, %and3A_205 : vector<16xi32>
          %gather3A_207 = tpu.vector_load_idx %arg12[%add3A_78, %and3A_206] : memref<64x512xf32, #tpu.memory_space<vmem>>[vector<16xi32>, vector<16xi32>], vector<16xf32>,
          %gather3A_208 = tpu.vector_load_idx %arg7[%get3A_74, %and3A_206] : memref<16x512xf32, #tpu.memory_space<vmem>>[vector<16xi32>, vector<16xi32>], vector<16xf32>,
          %mul3A_209 = arith.mulf %gather3A_207, %gather3A_208 : vector<16xf32>
          %add3A_210 = arith.addf %add3A_170, %mul3A_209 : vector<16xf32>
          %add3A_211 = arith.constant 1 : i32
          %add3A_212 = vector.broadcast %add3A_211 : i32 to vector<16xi32>
          %add3A_213 = arith.addi %and3A_206, %add3A_212 : vector<16xi32>
          %and3A_214 = arith.constant 511 : i32
          %and3A_215 = vector.broadcast %and3A_214 : i32 to vector<16xi32>
          %and3A_216 = arith.andi %add3A_213, %and3A_215 : vector<16xi32>
          %gather3A_217 = tpu.vector_load_idx %arg12[%add3A_78, %and3A_216] : memref<64x512xf32, #tpu.memory_space<vmem>>[vector<16xi32>, vector<16xi32>], vector<16xf32>,
          %gather3A_218 = tpu.vector_load_idx %arg7[%get3A_74, %and3A_216] : memref<16x512xf32, #tpu.memory_space<vmem>>[vector<16xi32>, vector<16xi32>], vector<16xf32>,
          %mul3A_219 = arith.mulf %gather3A_217, %gather3A_218 : vector<16xf32>
          %add3A_220 = arith.addf %add3A_180, %mul3A_219 : vector<16xf32>
          %add3A_221 = arith.constant 1 : i32
          %add3A_222 = vector.broadcast %add3A_221 : i32 to vector<16xi32>
          %add3A_223 = arith.addi %and3A_216, %add3A_222 : vector<16xi32>
          %and3A_224 = arith.constant 511 : i32
          %and3A_225 = vector.broadcast %and3A_224 : i32 to vector<16xi32>
          %and3A_226 = arith.andi %add3A_223, %and3A_225 : vector<16xi32>
          %gather3A_227 = tpu.vector_load_idx %arg12[%add3A_78, %and3A_226] : memref<64x512xf32, #tpu.memory_space<vmem>>[vector<16xi32>, vector<16xi32>], vector<16xf32>,
          %gather3A_228 = tpu.vector_load_idx %arg7[%get3A_74, %and3A_226] : memref<16x512xf32, #tpu.memory_space<vmem>>[vector<16xi32>, vector<16xi32>], vector<16xf32>,
          %mul3A_229 = arith.mulf %gather3A_227, %gather3A_228 : vector<16xf32>
          %add3A_230 = arith.addf %add3A_190, %mul3A_229 : vector<16xf32>
          %add3A_231 = arith.constant 1 : i32
          %add3A_232 = vector.broadcast %add3A_231 : i32 to vector<16xi32>
          %add3A_233 = arith.addi %and3A_226, %add3A_232 : vector<16xi32>
          %and3A_234 = arith.constant 511 : i32
          %and3A_235 = vector.broadcast %and3A_234 : i32 to vector<16xi32>
          %and3A_236 = arith.andi %add3A_233, %and3A_235 : vector<16xi32>
          %gather3A_237 = tpu.vector_load_idx %arg12[%add3A_78, %and3A_236] : memref<64x512xf32, #tpu.memory_space<vmem>>[vector<16xi32>, vector<16xi32>], vector<16xf32>,
          %gather3A_238 = tpu.vector_load_idx %arg7[%get3A_74, %and3A_236] : memref<16x512xf32, #tpu.memory_space<vmem>>[vector<16xi32>, vector<16xi32>], vector<16xf32>,
          %mul3A_239 = arith.mulf %gather3A_237, %gather3A_238 : vector<16xf32>
          %add3A_240 = arith.addf %add3A_200, %mul3A_239 : vector<16xf32>
          %add3A_241 = arith.constant 1 : i32
          %add3A_242 = vector.broadcast %add3A_241 : i32 to vector<16xi32>
          %add3A_243 = arith.addi %and3A_236, %add3A_242 : vector<16xi32>
          %and3A_244 = arith.constant 511 : i32
          %and3A_245 = vector.broadcast %and3A_244 : i32 to vector<16xi32>
          %and3A_246 = arith.andi %add3A_243, %and3A_245 : vector<16xi32>
          %gather3A_247 = tpu.vector_load_idx %arg12[%add3A_78, %and3A_246] : memref<64x512xf32, #tpu.memory_space<vmem>>[vector<16xi32>, vector<16xi32>], vector<16xf32>,
          %gather3A_248 = tpu.vector_load_idx %arg7[%get3A_74, %and3A_246] : memref<16x512xf32, #tpu.memory_space<vmem>>[vector<16xi32>, vector<16xi32>], vector<16xf32>,
          %mul3A_249 = arith.mulf %gather3A_247, %gather3A_248 : vector<16xf32>
          %add3A_250 = arith.addf %add3A_210, %mul3A_249 : vector<16xf32>
          %add3A_251 = arith.constant 1 : i32
          %add3A_252 = vector.broadcast %add3A_251 : i32 to vector<16xi32>
          %add3A_253 = arith.addi %and3A_246, %add3A_252 : vector<16xi32>
          %and3A_254 = arith.constant 511 : i32
          %and3A_255 = vector.broadcast %and3A_254 : i32 to vector<16xi32>
          %and3A_256 = arith.andi %add3A_253, %and3A_255 : vector<16xi32>
          %gather3A_257 = tpu.vector_load_idx %arg12[%add3A_78, %and3A_256] : memref<64x512xf32, #tpu.memory_space<vmem>>[vector<16xi32>, vector<16xi32>], vector<16xf32>,
          %gather3A_258 = tpu.vector_load_idx %arg7[%get3A_74, %and3A_256] : memref<16x512xf32, #tpu.memory_space<vmem>>[vector<16xi32>, vector<16xi32>], vector<16xf32>,
          %mul3A_259 = arith.mulf %gather3A_257, %gather3A_258 : vector<16xf32>
          %add3A_260 = arith.addf %add3A_220, %mul3A_259 : vector<16xf32>
          %add3A_261 = arith.constant 1 : i32
          %add3A_262 = vector.broadcast %add3A_261 : i32 to vector<16xi32>
          %add3A_263 = arith.addi %and3A_256, %add3A_262 : vector<16xi32>
          %and3A_264 = arith.constant 511 : i32
          %and3A_265 = vector.broadcast %and3A_264 : i32 to vector<16xi32>
          %and3A_266 = arith.andi %add3A_263, %and3A_265 : vector<16xi32>
          %gather3A_267 = tpu.vector_load_idx %arg12[%add3A_78, %and3A_266] : memref<64x512xf32, #tpu.memory_space<vmem>>[vector<16xi32>, vector<16xi32>], vector<16xf32>,
          %gather3A_268 = tpu.vector_load_idx %arg7[%get3A_74, %and3A_266] : memref<16x512xf32, #tpu.memory_space<vmem>>[vector<16xi32>, vector<16xi32>], vector<16xf32>,
          %mul3A_269 = arith.mulf %gather3A_267, %gather3A_268 : vector<16xf32>
          %add3A_270 = arith.addf %add3A_230, %mul3A_269 : vector<16xf32>
          %add3A_271 = arith.constant 1 : i32
          %add3A_272 = vector.broadcast %add3A_271 : i32 to vector<16xi32>
          %add3A_273 = arith.addi %and3A_266, %add3A_272 : vector<16xi32>
          %and3A_274 = arith.constant 511 : i32
          %and3A_275 = vector.broadcast %and3A_274 : i32 to vector<16xi32>
          %and3A_276 = arith.andi %add3A_273, %and3A_275 : vector<16xi32>
          %gather3A_277 = tpu.vector_load_idx %arg12[%add3A_78, %and3A_276] : memref<64x512xf32, #tpu.memory_space<vmem>>[vector<16xi32>, vector<16xi32>], vector<16xf32>,
          %gather3A_278 = tpu.vector_load_idx %arg7[%get3A_74, %and3A_276] : memref<16x512xf32, #tpu.memory_space<vmem>>[vector<16xi32>, vector<16xi32>], vector<16xf32>,
          %mul3A_279 = arith.mulf %gather3A_277, %gather3A_278 : vector<16xf32>
          %add3A_280 = arith.addf %add3A_240, %mul3A_279 : vector<16xf32>
          %add3A_281 = arith.constant 1 : i32
          %add3A_282 = vector.broadcast %add3A_281 : i32 to vector<16xi32>
          %add3A_283 = arith.addi %and3A_276, %add3A_282 : vector<16xi32>
          %and3A_284 = arith.constant 511 : i32
          %and3A_285 = vector.broadcast %and3A_284 : i32 to vector<16xi32>
          %and3A_286 = arith.andi %add3A_283, %and3A_285 : vector<16xi32>
          %gather3A_287 = tpu.vector_load_idx %arg12[%add3A_78, %and3A_286] : memref<64x512xf32, #tpu.memory_space<vmem>>[vector<16xi32>, vector<16xi32>], vector<16xf32>,
          %gather3A_288 = tpu.vector_load_idx %arg7[%get3A_74, %and3A_286] : memref<16x512xf32, #tpu.memory_space<vmem>>[vector<16xi32>, vector<16xi32>], vector<16xf32>,
          %mul3A_289 = arith.mulf %gather3A_287, %gather3A_288 : vector<16xf32>
          %add3A_290 = arith.addf %add3A_250, %mul3A_289 : vector<16xf32>
          %add3A_291 = arith.constant 1 : i32
          %add3A_292 = vector.broadcast %add3A_291 : i32 to vector<16xi32>
          %add3A_293 = arith.addi %and3A_286, %add3A_292 : vector<16xi32>
          %and3A_294 = arith.constant 511 : i32
          %and3A_295 = vector.broadcast %and3A_294 : i32 to vector<16xi32>
          %and3A_296 = arith.andi %add3A_293, %and3A_295 : vector<16xi32>
          %gather3A_297 = tpu.vector_load_idx %arg12[%add3A_78, %and3A_296] : memref<64x512xf32, #tpu.memory_space<vmem>>[vector<16xi32>, vector<16xi32>], vector<16xf32>,
          %gather3A_298 = tpu.vector_load_idx %arg7[%get3A_74, %and3A_296] : memref<16x512xf32, #tpu.memory_space<vmem>>[vector<16xi32>, vector<16xi32>], vector<16xf32>,
          %mul3A_299 = arith.mulf %gather3A_297, %gather3A_298 : vector<16xf32>
          %add3A_300 = arith.addf %add3A_260, %mul3A_299 : vector<16xf32>
          %add3A_301 = arith.constant 1 : i32
          %add3A_302 = vector.broadcast %add3A_301 : i32 to vector<16xi32>
          %add3A_303 = arith.addi %and3A_296, %add3A_302 : vector<16xi32>
          %and3A_304 = arith.constant 511 : i32
          %and3A_305 = vector.broadcast %and3A_304 : i32 to vector<16xi32>
          %and3A_306 = arith.andi %add3A_303, %and3A_305 : vector<16xi32>
          %gather3A_307 = tpu.vector_load_idx %arg12[%add3A_78, %and3A_306] : memref<64x512xf32, #tpu.memory_space<vmem>>[vector<16xi32>, vector<16xi32>], vector<16xf32>,
          %gather3A_308 = tpu.vector_load_idx %arg7[%get3A_74, %and3A_306] : memref<16x512xf32, #tpu.memory_space<vmem>>[vector<16xi32>, vector<16xi32>], vector<16xf32>,
          %mul3A_309 = arith.mulf %gather3A_307, %gather3A_308 : vector<16xf32>
          %add3A_310 = arith.addf %add3A_270, %mul3A_309 : vector<16xf32>
          %add3A_311 = arith.constant 1 : i32
          %add3A_312 = vector.broadcast %add3A_311 : i32 to vector<16xi32>
          %add3A_313 = arith.addi %and3A_306, %add3A_312 : vector<16xi32>
          %and3A_314 = arith.constant 511 : i32
          %and3A_315 = vector.broadcast %and3A_314 : i32 to vector<16xi32>
          %and3A_316 = arith.andi %add3A_313, %and3A_315 : vector<16xi32>
          %gather3A_317 = tpu.vector_load_idx %arg12[%add3A_78, %and3A_316] : memref<64x512xf32, #tpu.memory_space<vmem>>[vector<16xi32>, vector<16xi32>], vector<16xf32>,
          %gather3A_318 = tpu.vector_load_idx %arg7[%get3A_74, %and3A_316] : memref<16x512xf32, #tpu.memory_space<vmem>>[vector<16xi32>, vector<16xi32>], vector<16xf32>,
          %mul3A_319 = arith.mulf %gather3A_317, %gather3A_318 : vector<16xf32>
          %add3A_320 = arith.addf %add3A_280, %mul3A_319 : vector<16xf32>
          %add3A_321 = arith.constant 1 : i32
          %add3A_322 = vector.broadcast %add3A_321 : i32 to vector<16xi32>
          %add3A_323 = arith.addi %and3A_316, %add3A_322 : vector<16xi32>
          %and3A_324 = arith.constant 511 : i32
          %and3A_325 = vector.broadcast %and3A_324 : i32 to vector<16xi32>
          %and3A_326 = arith.andi %add3A_323, %and3A_325 : vector<16xi32>
          scf.yield %add3A_290, %add3A_300, %add3A_310, %add3A_320, %and3A_326 : vector<16xf32>, vector<16xf32>, vector<16xf32>, vector<16xf32>, vector<16xi32>
        }
        %scan3A_96 = arith.constant 32 : i32
        %add3A_97 = arith.addf %scan3A_95#0, %scan3A_95#1 : vector<16xf32>
        %add3A_98 = arith.addf %scan3A_95#2, %scan3A_95#3 : vector<16xf32>
        %add3A_99 = arith.addf %add3A_97, %add3A_98 : vector<16xf32>
        %gather3A = tpu.vector_load_idx %arg8[%get3A_74] : memref<16xi32, #tpu.memory_space<vmem>>[vector<16xi32>], vector<16xi32>,
        %gt3A = arith.constant 0 : i32
        %gt3A_100 = vector.broadcast %gt3A : i32 to vector<16xi32>
        %gt3A_101 = arith.cmpi sgt, %gather3A, %gt3A_100 : vector<16xi32>
        %jit3A = arith.constant 1.000000e+00 : f32
        %broadcast_in_dim3A_102 = vector.broadcast %jit3A : f32 to vector<16xf32>
        %select_n3A = arith.select %gt3A_101, %add3A_99, %broadcast_in_dim3A_102 : vector<16xi1>, vector<16xf32>
        %bitcast_convert_type3A = tpu.bitcast %select_n3A : vector<16xf32> -> vector<16xi32>
        %shift_right_arithmetic3A = arith.constant 23 : i32
        %shift_right_arithmetic3A_103 = vector.broadcast %shift_right_arithmetic3A : i32 to vector<16xi32>
        %shift_right_arithmetic3A_104 = arith.shrsi %bitcast_convert_type3A, %shift_right_arithmetic3A_103 : vector<16xi32>
        %and3A_105 = arith.constant 255 : i32
        %and3A_106 = vector.broadcast %and3A_105 : i32 to vector<16xi32>
        %and3A_107 = arith.andi %shift_right_arithmetic3A_104, %and3A_106 : vector<16xi32>
        %sub3A = arith.constant 127 : i32
        %sub3A_108 = vector.broadcast %sub3A : i32 to vector<16xi32>
        %sub3A_109 = arith.subi %and3A_107, %sub3A_108 : vector<16xi32>
        %and3A_110 = arith.constant 8388607 : i32
        %and3A_111 = vector.broadcast %and3A_110 : i32 to vector<16xi32>
        %and3A_112 = arith.andi %bitcast_convert_type3A, %and3A_111 : vector<16xi32>
        %or3A = arith.constant 1065353216 : i32
        %or3A_113 = vector.broadcast %or3A : i32 to vector<16xi32>
        %or3A_114 = arith.ori %and3A_112, %or3A_113 : vector<16xi32>
        %bitcast_convert_type3A_115 = tpu.bitcast %or3A_114 : vector<16xi32> -> vector<16xf32>
        %gt3A_116 = arith.constant 1.41421354 : f32
        %gt3A_117 = vector.broadcast %gt3A_116 : f32 to vector<16xf32>
        %gt3A_118 = arith.cmpf ogt, %bitcast_convert_type3A_115, %gt3A_117 : vector<16xf32>
        %add3A_119 = arith.constant 1 : i32
        %add3A_120 = vector.broadcast %add3A_119 : i32 to vector<16xi32>
        %add3A_121 = arith.addi %sub3A_109, %add3A_120 : vector<16xi32>
        %select_n3A_122 = arith.select %gt3A_118, %add3A_121, %sub3A_109 : vector<16xi1>, vector<16xi32>
        %mul3A_123 = arith.constant 5.000000e-01 : f32
        %mul3A_124 = vector.broadcast %mul3A_123 : f32 to vector<16xf32>
        %mul3A_125 = arith.mulf %bitcast_convert_type3A_115, %mul3A_124 : vector<16xf32>
        %select_n3A_126 = arith.select %gt3A_118, %mul3A_125, %bitcast_convert_type3A_115 : vector<16xi1>, vector<16xf32>
        %sub3A_127 = arith.constant 1.000000e+00 : f32
        %sub3A_128 = vector.broadcast %sub3A_127 : f32 to vector<16xf32>
        %sub3A_129 = arith.subf %select_n3A_126, %sub3A_128 : vector<16xf32>
        %add3A_130 = arith.constant 1.000000e+00 : f32
        %add3A_131 = vector.broadcast %add3A_130 : f32 to vector<16xf32>
        %add3A_132 = arith.addf %select_n3A_126, %add3A_131 : vector<16xf32>
        %div3A = arith.divf %sub3A_129, %add3A_132 : vector<16xf32>
        %mul3A_133 = arith.mulf %div3A, %div3A : vector<16xf32>
        %mul3A_134 = arith.constant 0.142857149 : f32
        %mul3A_135 = vector.broadcast %mul3A_134 : f32 to vector<16xf32>
        %mul3A_136 = arith.mulf %mul3A_133, %mul3A_135 : vector<16xf32>
        %add3A_137 = arith.constant 2.000000e-01 : f32
        %add3A_138 = vector.broadcast %add3A_137 : f32 to vector<16xf32>
        %add3A_139 = arith.addf %add3A_138, %mul3A_136 : vector<16xf32>
        %mul3A_140 = arith.mulf %mul3A_133, %add3A_139 : vector<16xf32>
        %add3A_141 = arith.constant 0.333333343 : f32
        %add3A_142 = vector.broadcast %add3A_141 : f32 to vector<16xf32>
        %add3A_143 = arith.addf %add3A_142, %mul3A_140 : vector<16xf32>
        %mul3A_144 = arith.mulf %mul3A_133, %add3A_143 : vector<16xf32>
        %add3A_145 = arith.constant 1.000000e+00 : f32
        %add3A_146 = vector.broadcast %add3A_145 : f32 to vector<16xf32>
        %add3A_147 = arith.addf %add3A_146, %mul3A_144 : vector<16xf32>
        %convert_element_type3A_148 = arith.sitofp %select_n3A_122 : vector<16xi32> to vector<16xf32>
        %mul3A_149 = arith.constant 0.693147182 : f32
        %mul3A_150 = vector.broadcast %mul3A_149 : f32 to vector<16xf32>
        %mul3A_151 = arith.mulf %convert_element_type3A_148, %mul3A_150 : vector<16xf32>
        %mul3A_152 = arith.constant 2.000000e+00 : f32
        %mul3A_153 = vector.broadcast %mul3A_152 : f32 to vector<16xf32>
        %mul3A_154 = arith.mulf %mul3A_153, %div3A : vector<16xf32>
        %mul3A_155 = arith.mulf %mul3A_154, %add3A_147 : vector<16xf32>
        %add3A_156 = arith.addf %mul3A_151, %mul3A_155 : vector<16xf32>
        %jit3A_157 = arith.constant 0.000000e+00 : f32
        %broadcast_in_dim3A_158 = vector.broadcast %jit3A_157 : f32 to vector<16xf32>
        %select_n3A_159 = arith.select %gt3A_101, %add3A_156, %broadcast_in_dim3A_158 : vector<16xi1>, vector<16xf32>
        %swap3A = arith.index_cast %add3A_73 : i32 to index
        %swap3A_160 = tpu.vector_load %arg10[%swap3A] {strides = array<i32>} : memref<256xf32, #tpu.memory_space<vmem>>, vector<16xf32>,
        tpu.vector_store %arg10[%swap3A], %select_n3A_159 {strides = array<i32>} : memref<256xf32, #tpu.memory_space<vmem>>, vector<16xf32>,
      }
      %scan3A_62 = arith.constant 4 : i32
      %add3A_63 = arith.constant 2 : i32
      %add3A_64 = arith.addi %add3A_48, %add3A_63 : i32
      %lt3A_65 = arith.constant 4 : i32
      %lt3A_66 = arith.cmpi slt, %add3A_64, %lt3A_65 : i32
      %convert_element_type3A_67 = arith.extui %lt3A_66 : i1 to i32
      %cond3A_68 = arith.constant 0 : i32
      %cond3A_69 = arith.cmpi ne, %convert_element_type3A_67, %cond3A_68 : i32
      scf.if %cond3A_69 {
        %add3A_70 = arith.constant 2 : i32
        %add3A_71 = arith.addi %add3A_48, %add3A_70 : i32
        %mul3A_72 = arith.constant 64 : i32
        %mul3A_73 = arith.muli %add3A_71, %mul3A_72 : i32
        %add3A_74 = arith.addi %add3A_4, %mul3A_73 : i32
        %dma_start3A_75 = arith.constant 0 : i32
        %dma_start3A_76 = tpu.memref_slice %arg2[%add3A_74, %dma_start3A_75] : memref<32768x512xf32, #tpu.memory_space<hbm>> -> memref<64x512xf32, #tpu.memory_space<hbm>>
        %dma_start3A_77 = arith.constant 0 : i32
        %dma_start3A_78 = tpu.memref_slice %arg2[%add3A_74, %dma_start3A_77] : memref<32768x512xf32, #tpu.memory_space<hbm>> -> memref<64x512xf32, #tpu.memory_space<hbm>>
        tpu.enqueue_dma source(%dma_start3A_78 : memref<64x512xf32, #tpu.memory_space<hbm>>) target(%arg12 : memref<64x512xf32, #tpu.memory_space<vmem>>) target_semaphore(%arg14 : memref<!tpu.dma_semaphore, #tpu.memory_space<semaphore_mem>>)
      } else {
      }
    }
    %scan3A_21 = arith.constant 2 : i32
    %mul3A_22 = arith.constant 256 : i32
    %mul3A_23 = arith.muli %add3A, %mul3A_22 : i32
    "tpu.region"() ({
      %run_scoped3A = tpu.sem_alloc : memref<!tpu.dma_semaphore, #tpu.memory_space<semaphore_mem>>
      %dma_start3A_24 = tpu.memref_slice %arg6[%mul3A_23] : memref<8192xf32, #tpu.memory_space<hbm>> -> memref<256xf32, #tpu.memory_space<hbm>>
      %dma_start3A_25 = tpu.memref_slice %arg6[%mul3A_23] : memref<8192xf32, #tpu.memory_space<hbm>> -> memref<256xf32, #tpu.memory_space<hbm>>
      tpu.enqueue_dma source(%arg10 : memref<256xf32, #tpu.memory_space<vmem>>) target(%dma_start3A_25 : memref<256xf32, #tpu.memory_space<hbm>>) target_semaphore(%run_scoped3A : memref<!tpu.dma_semaphore, #tpu.memory_space<semaphore_mem>>)
      %dma_wait3A_26 = tpu.memref_slice %arg6[%mul3A_23] : memref<8192xf32, #tpu.memory_space<hbm>> -> memref<256xf32, #tpu.memory_space<hbm>>
      %dma_wait3A_27 = tpu.memref_slice %arg6[%mul3A_23] : memref<8192xf32, #tpu.memory_space<hbm>> -> memref<256xf32, #tpu.memory_space<hbm>>
      tpu.wait_dma2 semaphore(%run_scoped3A : memref<!tpu.dma_semaphore, #tpu.memory_space<semaphore_mem>>) src(%arg10 : memref<256xf32, #tpu.memory_space<vmem>>) dst(%dma_wait3A_27 : memref<256xf32, #tpu.memory_space<hbm>>)
      tpu.yield
    }) : () -> ()
    return
  }
}

module attributes {stable_mosaic.version = 14 : i64} {
  func.func @_tc_body(%arg0: i32, %arg1: memref<2048x512xf32, #tpu.memory_space<vmem>>, %arg2: memref<16x512xf32, #tpu.memory_space<vmem>>, %arg3: memref<1x16xf32, #tpu.memory_space<vmem>>, %arg4: memref<1x1x2048xi32, #tpu.memory_space<vmem>>, %arg5: memref<1x1x2048xf32, #tpu.memory_space<vmem>>) attributes {dimension_semantics = [#tpu.dimension_semantics<arbitrary>], iteration_bounds = array<i64: 12>, scalar_prefetch = 0 : i64, scratch_operands = 0 : i64, tpu.core_type = #tpu.core_type<tc>, window_params = [{transform_indices = @transform_0, window_bounds = array<i64: 2048, 512>}, {pipeline_mode = #tpu.pipeline_mode<synchronous>, transform_indices = @transform_1, window_bounds = array<i64: 16, 512>}, {pipeline_mode = #tpu.pipeline_mode<synchronous>, transform_indices = @transform_2, window_bounds = array<i64: 1, 16>}, {transform_indices = @transform_3, window_bounds = array<i64: 1, 1, 2048>}, {transform_indices = @transform_4, window_bounds = array<i64: 1, 1, 2048>}]} {
    %get3A = arith.constant 0 : index
    %get3A_0 = arith.constant 0 : index
    %get3A_1 = vector.load %arg1[%get3A, %get3A_0] : memref<2048x512xf32, #tpu.memory_space<vmem>>, vector<2048x512xf32>
    %get3A_2 = arith.constant 0 : index
    %get3A_3 = arith.constant 0 : index
    %get3A_4 = vector.load %arg2[%get3A_2, %get3A_3] : memref<16x512xf32, #tpu.memory_space<vmem>>, vector<16x512xf32>
    %dot_general3A = arith.constant dense<0.000000e+00> : vector<2048x16xf32>
    %dot_general3A_5 = tpu.matmul %get3A_1, %get3A_4, %dot_general3A {dimension_numbers = #tpu.dot_dimension_numbers<[1], [1], [0], [0], [0, 0, 1, 0], [], []>, transpose_lhs_hint = false} : vector<2048x512xf32>, vector<16x512xf32>, vector<2048x16xf32> -> vector<2048x16xf32>
    %get3A_6 = arith.constant 0 : index
    %get3A_7 = arith.constant 0 : index
    %get3A_8 = arith.constant 0 : index
    %get3A_9 = vector.load %arg4[%get3A_6, %get3A_7, %get3A_8] : memref<1x1x2048xi32, #tpu.memory_space<vmem>>, vector<1x1x2048xi32>
    %get3A_10 = vector.shape_cast %get3A_9 : vector<1x1x2048xi32> to vector<2048xi32>
    %iota3A = tpu.iota {dimensions = array<i32: 1>} : vector<2048x16xi32>
    %broadcast_in_dim3A = vector.shape_cast %get3A_10 : vector<2048xi32> to vector<2048x1xi32>
    %eq3A = vector.broadcast %broadcast_in_dim3A : vector<2048x1xi32> to vector<2048x16xi32>
    %eq3A_11 = arith.cmpi eq, %eq3A, %iota3A : vector<2048x16xi32>
    %jit3A = arith.constant 0.000000e+00 : f32
    %broadcast_in_dim3A_12 = vector.broadcast %jit3A : f32 to vector<2048x16xf32>
    %select_n3A = arith.select %eq3A_11, %dot_general3A_5, %broadcast_in_dim3A_12 : vector<2048x16xi1>, vector<2048x16xf32>
    %reduce_sum3A = arith.constant dense<0.000000e+00> : vector<2048xf32>
    %reduce_sum3A_13 = vector.multi_reduction <add>, %select_n3A, %reduce_sum3A [1] : vector<2048x16xf32> to vector<2048xf32>
    %get3A_14 = arith.constant 0 : index
    %get3A_15 = arith.constant 0 : index
    %get3A_16 = vector.load %arg3[%get3A_14, %get3A_15] : memref<1x16xf32, #tpu.memory_space<vmem>>, vector<1x16xf32>
    %get3A_17 = vector.shape_cast %get3A_16 : vector<1x16xf32> to vector<16xf32>
    %broadcast_in_dim3A_18 = vector.shape_cast %get3A_17 : vector<16xf32> to vector<1x16xf32>
    %broadcast_in_dim3A_19 = vector.shape_cast %broadcast_in_dim3A_18 : vector<1x16xf32> to vector<1x16xf32>
    %broadcast_in_dim3A_20 = vector.broadcast %broadcast_in_dim3A_19 : vector<1x16xf32> to vector<2048x16xf32>
    %jit3A_21 = arith.constant 0.000000e+00 : f32
    %broadcast_in_dim3A_22 = vector.broadcast %jit3A_21 : f32 to vector<2048x16xf32>
    %select_n3A_23 = arith.select %eq3A_11, %broadcast_in_dim3A_20, %broadcast_in_dim3A_22 : vector<2048x16xi1>, vector<2048x16xf32>
    %reduce_sum3A_24 = arith.constant dense<0.000000e+00> : vector<2048xf32>
    %reduce_sum3A_25 = vector.multi_reduction <add>, %select_n3A_23, %reduce_sum3A_24 [1] : vector<2048x16xf32> to vector<2048xf32>
    %gt3A = arith.constant 5.000000e-01 : f32
    %gt3A_26 = vector.broadcast %gt3A : f32 to vector<2048xf32>
    %gt3A_27 = arith.cmpf ogt, %reduce_sum3A_25, %gt3A_26 : vector<2048xf32>
    %jit3A_28 = arith.constant 1.000000e+00 : f32
    %broadcast_in_dim3A_29 = vector.broadcast %jit3A_28 : f32 to vector<2048xf32>
    %select_n3A_30 = arith.select %gt3A_27, %reduce_sum3A_13, %broadcast_in_dim3A_29 : vector<2048xi1>, vector<2048xf32>
    %log3A = math.log %select_n3A_30 : vector<2048xf32>
    %jit3A_31 = arith.constant 0.000000e+00 : f32
    %broadcast_in_dim3A_32 = vector.broadcast %jit3A_31 : f32 to vector<2048xf32>
    %select_n3A_33 = arith.select %gt3A_27, %log3A, %broadcast_in_dim3A_32 : vector<2048xi1>, vector<2048xf32>
    %swap3A = arith.constant 0 : index
    %swap3A_34 = arith.constant 0 : index
    %swap3A_35 = arith.constant 0 : index
    %swap3A_36 = vector.load %arg5[%swap3A, %swap3A_34, %swap3A_35] : memref<1x1x2048xf32, #tpu.memory_space<vmem>>, vector<1x1x2048xf32>
    %swap3A_37 = vector.shape_cast %swap3A_36 : vector<1x1x2048xf32> to vector<2048xf32>
    %swap3A_38 = vector.shape_cast %select_n3A_33 : vector<2048xf32> to vector<1x1x2048xf32>
    tpu.vector_store %arg5[%swap3A, %swap3A_34, %swap3A_35], %swap3A_38 {strides = array<i32>} : memref<1x1x2048xf32, #tpu.memory_space<vmem>>, vector<1x1x2048xf32>,
    return
  }
  func.func @transform_0(%arg0: i32) -> (i32, i32) {
    %c0_i32 = arith.constant 0 : i32
    %c0_i32_0 = arith.constant 0 : i32
    return %arg0, %c0_i32 : i32, i32
  }
  func.func @transform_1(%arg0: i32) -> (i32, i32) {
    %c0_i32 = arith.constant 0 : i32
    %c0_i32_0 = arith.constant 0 : i32
    %c0_i32_1 = arith.constant 0 : i32
    return %c0_i32, %c0_i32_0 : i32, i32
  }
  func.func @transform_2(%arg0: i32) -> (i32, i32) {
    %c0_i32 = arith.constant 0 : i32
    %c0_i32_0 = arith.constant 0 : i32
    %c0_i32_1 = arith.constant 0 : i32
    return %c0_i32, %c0_i32_0 : i32, i32
  }
  func.func @transform_3(%arg0: i32) -> (i32, i32, i32) {
    %c0_i32 = arith.constant 0 : i32
    %c0_i32_0 = arith.constant 0 : i32
    %c0_i32_1 = arith.constant 0 : i32
    return %arg0, %c0_i32, %c0_i32_0 : i32, i32, i32
  }
  func.func @transform_4(%arg0: i32) -> (i32, i32, i32) {
    %c0_i32 = arith.constant 0 : i32
    %c0_i32_0 = arith.constant 0 : i32
    %c0_i32_1 = arith.constant 0 : i32
    return %arg0, %c0_i32, %c0_i32_0 : i32, i32, i32
  }
}

</mosaic_0001>

<sc_bundles>
// kernel: kernel.4.cloned.1.call-start
scs
__scs_entry_jumppad:
0x0: {  	(pc) =	sbr.rel $0x88, $3  }
0x1: {  	(tag) =	ssettag $0x0;
	lr =	simm.s32 $0x1  }
0x2: {  	[smem:$0x3F9D] =	sst lr;
	_ =	strace $0xD0000000  }
0x3: {  	_ = 	snop  }
0x4: {  	_ = 	snop  }
0x5: {  	_ = 	snop  }
0x6: {  	_ = 	snop  }
0x7: {  	_ = 	snop  }
__scs_overlays_trampoline_lowered:
0x8: {  	[smem:$0x3FAC] =	sst s0  }
0x9: {  	[smem:$0x3FAD] =	sst s1  }
0xa: {  	[smem:$0x3FAE] =	sst s2  }
0xb: {  	[smem:$0x3FAF] =	sst s3  }
0xc: {  	[smem:$0x3FB0] =	sst s4  }
0xd: {  	[smem:$0x3FB1] =	sst s5  }
0xe: {  	[smem:$0x3FB2] =	sst s6  }
0xf: {  	[smem:$0x3FB3] =	sst s7  }
0x10: {  	[smem:$0x3FB4] =	sst s8  }
0x11: {  	[smem:$0x3FB5] =	sst s9;
	s0 =	simm.s32 @!p0 $0x0  }
0x12: {  	s1 =	sld [smem:$0x3F9B];
	s0 =	simm.s32 @p0 $0x1  }
0x13: {  	[smem:$0x3FB6] =	sst s0;
	s0 =	simm.s32 @!p1 $0x0  }
0x14: {  	s2 =	sld [smem:$0x3F9A];
	s0 =	simm.s32 @p1 $0x1  }
0x15: {  	[smem:$0x3FB7] =	sst s0;
	s0 =	simm.s32 @!p2 $0x0  }
0x16: {  	s3 =	sld [smem:$0x3FDB];
	s0 =	simm.s32 @p2 $0x1  }
0x17: {  	s4 =	simm.s32 $0x1BF5;
	[smem:$0x3FB9] =	sst s0  }
0x18: {  	s0 =	sld [smem:$0x3F9C];
	_ =	swait.ge [sflag:s4], $0x0  }
0x19: {  	s7 =	sld [smem:$0x3F9D]  }
0x1a: {  	s8 =	sadd.s32 $0xFFFFE003, lr  }
0x1b: {  	s9 =	sadd.s32 $0xFFFFFEF7, lr;
	s5 =	simm.s32 $0xFFFFFFFF;
	p2 =	slt.u32 s8, $0xFFFFF086  }
0x1c: {  	p1 =	slt.u32 s9, $0xF7A;
	s5 =	simm.s32 @!p2 $0x0  }
0x1d: {  	s5 =	simm.s32 @p1 $0x1;
	p0 =	seq.s32 s7, s2  }
0x1e: {  	s7 =	smul.u32 @!p0 $0xF7A, s2;
	p2 =	seq.s32 @!p0 s5, $0x0  }
0x1f: {  	s9 =	smul.u32 $0xF7A, s1;
	s8 =	simm.s32 @!p0 $0x1BF5;
	p2 =	por !p2, p0  }
0x20: {  	[sflag:s8] =	ssyncset.s32 @!p0 $0xFFFFF086;
	s6 =	sadd.s32 @!p0 s3, s7;
	s7 =	simm.s32 @!p0 $0x108  }
0x21: {  	s3 =	sadd.s32 s3, s9;
	s6 =	sadd.s32 @!p0 $0x88, s6;
	s7 =	simm.s32 @p2 $0x1082  }
0x22: {  	[simem:s7], [sflag:s8] =	dma.local @!p0 [hbm:s6], $0xF7A  }
0x23: {  	s9 =	sor.u32 $0xD0000000, s2;
	s6 =	simm.s32 $0x108;
	_ =	swait.ge @!p0 [sflag:s8], $0x0  }
0x24: {  	s3 =	sadd.s32 $0x88, s3;
	s6 =	simm.s32 @!p1 $0x1082;
	[sflag:s4] =	ssyncset.s32 $0xFFFFF086  }
0x25: {  	[simem:s6], [sflag:s4] =	dma.local [hbm:s3], $0xF7A  }
0x26: {  	[smem:$0x3F9D] =	sst s1;
	(tag) =	ssettag s2;
	_ =	strace s9  }
0x27: {  	s1 =	sld [smem:$0x3FAD]  }
0x28: {  	s2 =	sld [smem:$0x3FAE]  }
0x29: {  	s4 =	sld [smem:$0x3FB0]  }
0x2a: {  	p0 =	seq.s32 s5, $0x0;
	s5 =	sld [smem:$0x3FB1]  }
0x2b: {  	s6 =	sld [smem:$0x3FB2]  }
0x2c: {  	s7 =	sld [smem:$0x3FB3]  }
0x2d: {  	s3 =	simm.s32 $0x108;
	s8 =	sld [smem:$0x3FB4]  }
0x2e: {  	s3 =	simm.s32 @!p0 $0x1082;
	s9 =	sld [smem:$0x3FB5]  }
0x2f: {  	lr =	sadd.s32 s0, s3;
	s0 =	sld [smem:$0x3FAC]  }
0x30: {  	s3 =	sld [smem:$0x3FAF]  }
0x31: {  	[smem:$0x3FB8] =	sst s10  }
0x32: {  	s10 =	sld [smem:$0x3FB6];
	_ =	sdelay $0x3  }
0x33: {  	p0 =	seq.s32 s10, $0x1;
	s10 =	sld [smem:$0x3FB8];
	_ =	sdelay $0x3  }
0x34: {  	[smem:$0x3FB8] =	sst s10  }
0x35: {  	s10 =	sld [smem:$0x3FB7];
	_ =	sdelay $0x3  }
0x36: {  	p1 =	seq.s32 s10, $0x1;
	s10 =	sld [smem:$0x3FB8];
	_ =	sdelay $0x3  }
0x37: {  	[smem:$0x3FB8] =	sst s10  }
0x38: {  	s10 =	sld [smem:$0x3FB9]  }
0x39: {  	_ = 	snop;
	(pc) =	sbr.ind lr, $3  }
0x3a: {  	_ = 	snop  }
0x3b: {  	_ = 	snop  }
0x3c: {  	p2 =	seq.s32 s10, $0x1;
	s10 =	sld [smem:$0x3FB8]  }
0x3d: {  	_ =	shalt  }
0x3e: {  	_ =	shalt  }
0x3f: {  	_ =	shalt  }
0x40: {  	_ =	shalt  }
0x41: {  	_ =	shalt  }
0x42: {  	_ =	shalt  }
0x43: {  	_ =	shalt  }
0x44: {  	_ =	shalt  }
0x45: {  	_ =	shalt  }
0x46: {  	_ =	shalt  }
0x47: {  	_ =	shalt  }
0x48: {  	_ =	shalt  }
0x49: {  	_ =	shalt  }
0x4a: {  	_ =	shalt  }
0x4b: {  	_ =	shalt  }
0x4c: {  	_ =	shalt  }
0x4d: {  	_ =	shalt  }
0x4e: {  	_ =	shalt  }
0x4f: {  	_ =	shalt  }
0x50: {  	_ =	shalt  }
0x51: {  	_ =	shalt  }
0x52: {  	_ =	shalt  }
0x53: {  	_ =	shalt  }
0x54: {  	_ =	shalt  }
0x55: {  	_ =	shalt  }
0x56: {  	_ =	shalt  }
0x57: {  	_ =	shalt  }
0x58: {  	_ =	shalt  }
0x59: {  	_ =	shalt  }
0x5a: {  	_ =	shalt  }
0x5b: {  	_ =	shalt  }
0x5c: {  	_ =	shalt  }
0x5d: {  	_ =	shalt  }
0x5e: {  	_ =	shalt  }
0x5f: {  	_ =	shalt  }
0x60: {  	_ =	shalt  }
0x61: {  	_ =	shalt  }
0x62: {  	_ =	shalt  }
0x63: {  	_ =	shalt  }
0x64: {  	_ =	shalt  }
0x65: {  	_ =	shalt  }
0x66: {  	_ =	shalt  }
0x67: {  	_ =	shalt  }
0x68: {  	_ =	shalt  }
0x69: {  	_ =	shalt  }
0x6a: {  	_ =	shalt  }
0x6b: {  	_ =	shalt  }
0x6c: {  	_ =	shalt  }
0x6d: {  	_ =	shalt  }
0x6e: {  	_ =	shalt  }
0x6f: {  	_ =	shalt  }
0x70: {  	_ =	shalt  }
0x71: {  	_ =	shalt  }
0x72: {  	_ =	shalt  }
0x73: {  	_ =	shalt  }
0x74: {  	_ =	shalt  }
0x75: {  	_ =	shalt  }
0x76: {  	_ =	shalt  }
0x77: {  	_ =	shalt  }
0x78: {  	_ =	shalt  }
0x79: {  	_ =	shalt  }
0x7a: {  	_ =	shalt  }
0x7b: {  	_ =	shalt  }
0x7c: {  	_ =	shalt  }
0x7d: {  	_ =	shalt  }
0x7e: {  	_ =	shalt  }
0x7f: {  	_ =	shalt  }
0x80: {  	_ =	shalt  }
0x81: {  	_ =	shalt  }
0x82: {  	_ =	shalt  }
0x83: {  	_ =	shalt  }
0x84: {  	_ =	shalt  }
0x85: {  	_ =	shalt  }
0x86: {  	_ =	shalt  }
0x87: {  	_ =	shalt  }
.Lfunc_end0:
.L_simem_size_0:
called_computation_lowered:
.L_overlay_start_0:
0x88: {  	s2 =	sld [smem:$0x3FD9]  }
0x89: {  	s3 =	sld [smem:$0x3FFE];
	_ =	sdelay $0x1  }
0x8a: {  	s1 =	srdreg.scid  }
0x8b: {  	s0 =	sand.u32 $0x1, s1  }
0x8c: {  	s17 =	sshll.u32 s0, $0xA;
	s2 =	sadd.s32 s3, s2  }
0x8d: {  	s2 =	sadd.s32 s2, s17  }
0x8e: {  	[smem:$0x3FC4] =	sst s2  }
0x8f: {  	_ = 	snop  }
0x90: {  	s2 =	sld [smem:$0x3FC9]  }
0x91: {  	s18 =	sld [smem:$0x3FC8]  }
0x92: {  	s4 =	sld [smem:$0x3FC6]  }
0x93: {  	s5 =	sld [smem:$0x3FD0];
	(tm) =	ssettm $0x1  }
0x94: {  	s6 =	sld [smem:$0x3FFB];
	_ =	sdelay $0x3  }
0x95: {  	_ =	strace s6  }
0x96: {  	s6 =	sld [smem:$0x3FFC];
	_ =	sdelay $0x3  }
0x97: {  	_ =	strace s6  }
0x98: {  	s6 =	sld [smem:$0x3FFD];
	_ =	sdelay $0x3  }
0x99: {  	_ =	strace s6  }
0x9a: {  	_ =	strace $0x8FFFFFFF  }
0x9b: {  	s19 =	sld [smem:$0x3FDB];
	_ =	sdelay $0x1  }
0x9c: {  	s7 =	simm.s32 $_scs_section_size  }
0x9d: {  	s8 =	simm.s32 $_size__tile_overlayer_lowered;
	s9 =	simm.s32 $_tile_overlayer_lowered  }
0x9e: {  	s22 =	simm.s32 $0x1BFF;
	s21 =	sshll.u32 s9, $0x1;
	s6 =	sadd.s32 s7, s19  }
0x9f: {  	s10 =	simm.s32 $0x0;
	s20 =	sshll.u32 s8, $0x1;
	s8 =	sadd.s32 s21, s6  }
0xa0: {  	[timem:s10], [sflag:s22] =	dma.local [hbm:s8], s20  }
0xa1: {  	_ =	swait.ge [sflag:s22], s20  }
0xa2: {  	s7 =	ssub.s32 $0x0, s20;
	[sflag:s22] =	ssyncset.done $0x0  }
0xa3: {  	[sflag:s22] =	ssyncadd.s32 s7;
	_ =	sdelay $0x1  }
0xa4: {  	s23 =	simm.s32 $0x1B8B  }
0xa5: {  	_ =	swait.ge [sflag:s23], $0x1  }
0xa6: {  	[sflag:s23] =	ssyncset.done $0x0  }
0xa7: {  	s25 =	simm.s32 $0x1B8E;
	s24 =	sld [smem:$0x3FFE];
	[sflag:s23] =	ssyncadd.s32 $0xFFFFFFFF  }
0xa8: {  	s26 =	simm.s32 $execute0_lowered;
	[smem:$0x3FD2] =	sst s25  }
0xa9: {  	s8 =	sshll.u32 s26, $0x1;
	_ =	strace $0x80000046;
	[dreg:$0x1] =	wrdreg $0xFFFFFFFF  }
0xaa: {  	s28 =	simm.s32 $_size_execute0_lowered;
	s6 =	sadd.s32 s6, s8;
	[dreg:$0x0] =	wrdreg $0x0  }
0xab: {  	s8 =	sshll.u32 s28, $0x1;
	[dreg:$0x2] =	wrdreg s6  }
0xac: {  	[dreg:$0x3] =	wrdreg s8  }
0xad: {  	[dreg:$0x4] =	wrdreg $0xC0  }
0xae: {  	_ =	task [dreg:s10], $0x5FFFF  }
0xaf: {  	[dreg:$0x1] =	wrdreg $0xFFFFFFFF  }
0xb0: {  	[dreg:$0x0] =	wrdreg $0x60  }
0xb1: {  	[dreg:$0x2] =	wrdreg s2  }
0xb2: {  	[dreg:$0x3] =	wrdreg s18  }
0xb3: {  	[dreg:$0x4] =	wrdreg s5  }
0xb4: {  	[dreg:$0x5] =	wrdreg s4  }
0xb5: {  	[dreg:$0x6] =	wrdreg s24  }
0xb6: {  	[dreg:$0x7] =	wrdreg $0x9  }
0xb7: {  	_ =	task.clear_ibuf [dreg:s10], $0x8FFFF;
	_ =	strace $0x90000046  }
0xb8: {  	s29 =	simm.s32 $0x9;
	_ =	strace $0x80000048  }
0xb9: {  	_ =	swait.ge [sflag:s29], $0x1  }
0xba: {  	[sflag:s29] =	ssyncadd.s32 $0xFFFFFFFF  }
0xbb: {  	_ =	strace $0x90000048  }
0xbc: {  	_ =	sfence  }
0xbd: {  	s30 =	sld [smem:$0x0];
	_ =	sdelay $0x2  }
0xbe: {  	s31 =	sshll.u32 s1, $0xD;
	s1 =	sshrl.u32 s1, $0x2  }
0xbf: {  	s3 =	sand.u32 $0x4000, s31;
	s1 =	sadd.s32 s1, s30  }
0xc0: {  	s0 =	sor.u32 s3, s0;
	s1 =	sshll.u32 s1, $0x11  }
0xc1: {  	s0 =	sor.u32 s1, s0  }
0xc2: {  	s0 =	sadd.s32 $0x8F2B, s0  }
0xc3: {  	[sflag:s0] =	ssyncadd.remote.s32 $0x1  }
0xc4: {  	_ =	sfence.sel $0xFFFF  }
0xc5: {  	[dreg:$0x0] =	wrdreg $0xFFFFFFFF;
	(pc) =	sbr.abs _section_cstart, $3  }
0xc6: {  	[dreg:$0x1] =	wrdreg $0xFFFFFFFF  }
0xc7: {  	_ =	task.clear_ibuf [dreg:s10], $0x2FFFF;
	_ =	strace $0x9FFFFFFF  }
0xc8: {  	(tm) =	ssettm $0x7FFFFFFF  }
0xc9: {  	_ =	shalt  }
tec
execute0_lowered:
.L_overlay_start_1:
0x0: {  	(tag) =	ssettag $0x1  }
0x1: {  	s5 =	rddreg [dreg:$0x0]  }
0x2: {  	s1 =	rddreg [dreg:$0x1]  }
0x3: {  	s2 =	rddreg [dreg:$0x2]  }
0x4: {  	s3 =	srdreg.scid;
	s7 =	rddreg [dreg:$0x3]  }
0x5: {  	s0 =	stileid.u32;
	s8 =	rddreg [dreg:$0x4]  }
0x6: {  	s4 =	simm.s32 $0x0;
	s13 =	simm.s32 $0xA280;
	s14 =	simm.s32 $0x2000  }
0x7: {  	s15 =	simm.s32 $0x2080;
	s16 =	simm.s32 $0x3;
	s17 =	simm.s32 $0x1  }
0x8: {  	s18 =	simm.s32 $0x2;
	s19 =	simm.s32 $0x2180;
	s20 =	simm.s32 $0x4  }
0x9: {  	s21 =	simm.s32 $0x0;
	s6 =	sand.u32 $0x1, s3;
	s3 =	rddreg [dreg:$0x5]  }
0xa: {  	s9 =	sshll.u32 s0, $0x9;
	[smem:$0x7FF] =	sst s4;
	s10 =	sshll.u32 s6, $0x8  }
0xb: {  	_ =	strace $0x80000047;
	s6 =	ssub.s32 $0x2, s6;
	s9 =	sor.u32 s10, s9  }
0xc: {  	s28 =	sshrl.u32 s6, $0x1;
	s10 =	sshrl.u32 s9, $0x3;
	s11 =	sor.u32 $0x6000, s9  }
.Ltmp0:
0xd: {  	v0 =	vlaneseq.u32;
	s9 =	sshll.u32 s9, $0x6;
	s12 =	ssub.s32 s6, s28;
	(pc) =	sbr.rel .LBB2_1-.Ltmp0, $4  }
0xe: {  	v17 =	vmul.u32 $0x200, v0;
	v1 =	vand.u32 $0x7, v0;
	s10 =	sadd.s32 s10, s8;
	s29 =	sshll.u32 s11, $0x6;
	s30 =	sadd.s32 s9, s5  }
0xf: {  	v1 =	vmul.u32 $0x80, v1;
	s31 =	sshrl.u32 s11, $0x3;
	s11 =	smax.u32 s12, $0x1;
	s12 =	simm.s32 $0x2280  }
0x10: {  	[tilespmem:$0x1FFF0] =	vst v17;
	s5 =	sadd.s32 s5, s29;
	s6 =	sadd.s32 $0x181000, s30;
	s7 =	sadd.s32 s7, s31  }
0x11: {  	v2 =	vmul.u32 $0x21, v0;
	[tilespmem:$0x1FFE0] =	vst v1;
	s10 =	sadd.s32 $0xA00, s10;
	s8 =	sadd.s32 $0x2000, s5;
	s9 =	sadd.s32 $0x3000, s5  }
.LBB2_12:
0x12: {  	s21 =	sadd.s32 $0x1, s21  }
0x13: {  	p0 =	sne.s32 s21, s11  }
.Ltmp1:
0x14: {  	_ = 	snop;
	(pc) =	sbr.rel @!p0 .LBB2_13-.Ltmp1, $4  }
0x15: {  	[hbm4b:s10+s4] =	stream.linear.scatter [tilespmem:s19], [sflag:$0x4], $0x100, $0x38;
	[tilespmem:$0x12280] =	vst v63  }
0x16: {  	_ =	swait.ge [sflag:s20], $0x100  }
0x17: {  	[sflag:s20] =	ssyncset.done $0x0  }
0x18: {  	[sflag:s20] =	ssyncadd.s32 $0xFFFFFF00  }
.LBB2_1:
0x19: {  	[tilespmem:s12], [sflag:$0x1] =	stream.linear.gather [hbm4b:s5+s4], $0x8000, $0x38;
	[tilespmem:$0x12280] =	vst v63  }
0x1a: {  	_ = 	snop  }
0x1b: {  	[tilespmem:s13], [sflag:$0x2] =	stream.linear.gather [hbm4b:s6+s4], $0x8000, $0x38;
	[tilespmem:$0x12280] =	vst v63  }
0x1c: {  	_ = 	snop  }
0x1d: {  	[tilespmem:s4], [sflag:$0x3] =	stream.linear.gather [hbm4b:s1+s4], $0x2000, $0x38;
	[tilespmem:$0x12280] =	vst v63  }
0x1e: {  	_ = 	snop  }
0x1f: {  	[tilespmem:s14], [sflag:$0x3] =	stream.linear.gather [hbm4b:s2+s4], $0x80, $0x38;
	[tilespmem:$0x12280] =	vst v63  }
0x20: {  	_ = 	snop  }
0x21: {  	[tilespmem:s15], [sflag:$0x3] =	stream.linear.gather [hbm4b:s7+s4], $0x100, $0x38;
	[tilespmem:$0x12280] =	vst v63  }
0x22: {  	_ =	swait.ge [sflag:s16], $0x2000  }
0x23: {  	[sflag:s16] =	ssyncset.done $0x0  }
0x24: {  	[sflag:s16] =	ssyncadd.s32 $0xFFFFE000  }
0x25: {  	_ =	swait.ge [sflag:s16], $0x80  }
0x26: {  	[sflag:s16] =	ssyncset.done $0x0  }
0x27: {  	[sflag:s16] =	ssyncadd.s32 $0xFFFFFF80  }
0x28: {  	_ =	swait.ge [sflag:s16], $0x100  }
0x29: {  	[sflag:s16] =	ssyncset.done $0x0  }
0x2a: {  	p0 =	por $0x1, $0x1;
	s22 =	simm.s32 $0x0;
	[sflag:s16] =	ssyncadd.s32 $0xFFFFFF00  }
.LBB2_2:
0x2b: {  	_ =	swait.ge [sflag:s17], $0x8000  }
0x2c: {  	v0 =	vmov s22;
	[sflag:s17] =	ssyncset.done $0x0  }
0x2d: {  	s23 =	simm.s32 $0x0;
	[tilespmem:$0x1FFD0] =	vst v0;
	[sflag:s17] =	ssyncadd.s32 $0xFFFF8000  }
.LBB2_3:
0x2e: {  	v0 =	vld [tilespmem:$0x1FFD0];
	_ =	sdelay $0x4  }
0x2f: {  	v42 =	vimm.f32 $0.0e+00;
	v15 =	vadd.s32 $0x6, v2  }
0x30: {  	v16 =	vadd.s32 $0xD, v2;
	v18 =	vadd.s32 $0x4, v2;
	v23 =	vadd.s32 $0x9, v2  }
0x31: {  	s24 =	sshll.u32 s23, $0x4;
	v4 =	vld [tilespmem:$0x1FFE0];
	v28 =	vadd.s32 $0x5, v2;
	v13 =	vshll.u32 v2, $0x3;
	v20 =	vadd.s32 $0x1, v2  }
0x32: {  	v24 =	vadd.s32 $0x2, v2;
	v50 =	vimm.f32 $0.0e+00;
	v21 =	vshll.u32 v16, $0x3;
	v37 =	vld.idx.msk [tilespmem:v0+s24+$0x2080 ss:$0x1], $0xffff  }
0x33: {  	v19 =	vand.u32 $0x7F, v20;
	v22 =	vshll.u32 v20, $0x3;
	v0 =	vmov s24  }
0x34: {  	v25 =	vshll.u32 v24, $0x3;
	v24 =	vand.u32 $0x7F, v24;
	v0 =	vshll.u32 v0, $0x9  }
0x35: {  	v20 =	vand.u32 $0xC00, v21;
	v21 =	vand.u32 $0xC00, v22;
	v0 =	vor.u32 v17, v0  }
0x36: {  	v22 =	vand.u32 $0x7F, v16;
	v25 =	vand.u32 $0xC00, v25;
	v0 =	vand.u32 $0x7000, v0  }
0x37: {  	v39 =	vor.u32 v4, v0;
	v0 =	vadd.s32 $0xA, v2;
	v1 =	vshll.u32 v37, $0x9  }
0x38: {  	v3 =	vshll.u32 v37, $0x7;
	v16 =	vor.u32 v19, v39;
	v27 =	vor.u32 v22, v39  }
0x39: {  	v33 =	vor.u32 v24, v39;
	v1 =	vand.u32 $0xFFFFF000, v1;
	v3 =	vand.u32 $0x380, v3  }
0x3a: {  	v16 =	vor.u32 v21, v16;
	v36 =	vor.u32 v20, v27;
	v38 =	vor.u32 v1, v3  }
0x3b: {  	v3 =	vand.u32 $0x7F, v0;
	v0 =	vshll.u32 v0, $0x3;
	v1 =	vadd.s32 $0xE, v2  }
0x3c: {  	v4 =	vand.u32 $0xC00, v0;
	v0 =	vor.u32 v3, v39;
	[tilespmem:$0x1FEB0] =	vst v3;
	v3 =	vor.u32 v3, v38  }
0x3d: {  	v0 =	vor.u32 v4, v0;
	[tilespmem:$0x1FEC0] =	vst v4;
	v4 =	vor.u32 v4, v3;
	v3 =	vadd.s32 $0xB, v2  }
0x3e: {  	v6 =	vand.u32 $0x7F, v1;
	v1 =	vshll.u32 v1, $0x3;
	v5 =	vand.u32 $0x7F, v3  }
0x3f: {  	v8 =	vand.u32 $0xC00, v1;
	v1 =	vshll.u32 v3, $0x3;
	v3 =	vor.u32 v5, v38  }
0x40: {  	v7 =	vand.u32 $0xC00, v1;
	[tilespmem:$0x1FED0] =	vst v5;
	v1 =	vor.u32 v5, v39;
	v5 =	vor.u32 v6, v38  }
0x41: {  	v1 =	vor.u32 v7, v1;
	[tilespmem:$0x1FEF0] =	vst v7;
	v7 =	vor.u32 v7, v3;
	v3 =	vadd.s32 $0x8, v2  }
0x42: {  	[tilespmem:$0x1FEE0] =	vst v6;
	v6 =	vor.u32 v6, v39;
	v10 =	vand.u32 $0x7F, v3;
	v3 =	vshll.u32 v3, $0x3  }
0x43: {  	v6 =	vor.u32 v8, v6;
	v12 =	vand.u32 $0xC00, v3;
	v3 =	vor.u32 v10, v39  }
0x44: {  	[tilespmem:$0x1FF00] =	vst v8;
	v40 =	vor.u32 v8, v5;
	v8 =	vor.u32 v10, v38;
	v3 =	vor.u32 v12, v3  }
0x45: {  	v26 =	vor.u32 v19, v38;
	v5 =	vadd.s32 $0xC, v2;
	v8 =	vor.u32 v12, v8  }
0x46: {  	v29 =	vor.u32 v22, v38;
	v31 =	vor.u32 v24, v38;
	v11 =	vand.u32 $0x7F, v5  }
0x47: {  	v30 =	vor.u32 v21, v26;
	v26 =	vand.u32 $0x7F, v28;
	v5 =	vshll.u32 v5, $0x3;
	[tilespmem:$0x1FF10] =	vst v11  }
0x48: {  	v9 =	vor.u32 v11, v39;
	v14 =	vor.u32 v11, v38;
	v11 =	vand.u32 $0xC00, v5;
	[tilespmem:$0x1FF20] =	vst v10;
	v49 =	vld.idx.msk [tilespmem:v0+s12+$0x0], $0xffff  }
0x49: {  	v10 =	vadd.s32 $0xF, v2;
	v0 =	vshll.u32 v23, $0x3;
	v5 =	vor.u32 v11, v9;
	[tilespmem:$0x1FF30] =	vst v11;
	v3 =	vld.idx.msk [tilespmem:v3+s12+$0x0], $0xffff  }
0x4a: {  	v9 =	vor.u32 v11, v14;
	[tilespmem:$0x1FF40] =	vst v12;
	v11 =	vadd.s32 $0x10, v2;
	v44 =	vshll.u32 v10, $0x3;
	v8 =	vld.idx.msk [tilespmem:v8+s4+$0x0], $0xffff  }
0x4b: {  	v58 =	vld.idx.msk [tilespmem:v36+s12+$0x0], $0xffff;
	[tilespmem:$0x1FF50] =	vst v10;
	v45 =	vand.u32 $0x7F, v10;
	v10 =	vadd.s32 $0x3, v2;
	v12 =	vand.u32 $0x7F, v2  }
0x4c: {  	v27 =	vand.u32 $0xC00, v0;
	v0 =	vld.idx.msk [tilespmem:v16+s12+$0x0], $0xffff;
	v16 =	vadd.s32 $0x7, v2;
	v46 =	vor.u32 v45, v39  }
0x4d: {  	[tilespmem:$0x1FF60] =	vst v11;
	v41 =	vand.u32 $0x1FF, v11;
	v11 =	vshll.u32 v10, $0x3;
	v53 =	vld.idx.msk [tilespmem:v7+s4+$0x0], $0xffff;
	v7 =	vshll.u32 v15, $0x3  }
0x4e: {  	v36 =	vand.u32 $0x7F, v10;
	v54 =	vld.idx.msk [tilespmem:v6+s12+$0x0], $0xffff;
	v6 =	vor.u32 v26, v38;
	v34 =	vand.u32 $0xC00, v7  }
0x4f: {  	v7 =	vor.u32 v26, v39;
	v43 =	vmul.f32 v8, v3;
	v8 =	vor.u32 v20, v29  }
0x50: {  	[tilespmem:$0x1FF70] =	vst v13;
	v51 =	vld.idx.msk [tilespmem:v4+s4+$0x0], $0xffff;
	v3 =	vand.u32 $0xC00, v13;
	v29 =	vor.u32 v12, v39;
	v13 =	vshll.u32 v28, $0x3  }
0x51: {  	v28 =	vld.idx.msk [tilespmem:v30+s4+$0x0], $0xffff;
	v30 =	vand.u32 $0x7F, v16;
	v16 =	vshll.u32 v16, $0x3;
	v4 =	vor.u32 v3, v29  }
0x52: {  	v29 =	vand.u32 $0x7F, v23;
	v23 =	vor.u32 v25, v31;
	v31 =	vand.u32 $0xC00, v16  }
0x53: {  	v16 =	vor.u32 v30, v39;
	[tilespmem:$0x1FF80] =	vst v13;
	v63 =	vand.u32 $0xC00, v13;
	v13 =	vshll.u32 v18, $0x3  }
0x54: {  	v52 =	vld.idx.msk [tilespmem:v1+s12+$0x0], $0xffff;
	v32 =	vor.u32 v29, v39;
	v1 =	vor.u32 v29, v38;
	v55 =	vor.u32 v31, v16  }
0x55: {  	v57 =	vld.idx.msk [tilespmem:v9+s4+$0x0], $0xffff;
	v16 =	vor.u32 v25, v33;
	v33 =	vand.u32 $0x7F, v18;
	v47 =	vor.u32 v27, v1  }
0x56: {  	[tilespmem:$0x1FF90] =	vst v10;
	v61 =	vld.idx.msk [tilespmem:v5+s12+$0x0], $0xffff;
	v5 =	vor.u32 v63, v6;
	v48 =	vor.u32 v27, v32;
	v32 =	vand.u32 $0x7F, v15  }
0x57: {  	v1 =	vor.u32 v30, v38;
	v6 =	vor.u32 v33, v39;
	v9 =	vor.u32 v32, v39;
	v56 =	vld.idx.msk [tilespmem:v8+s4+$0x0], $0xffff  }
0x58: {  	v15 =	vor.u32 v32, v38;
	v60 =	vor.u32 v31, v1;
	v59 =	vmul.f32 v28, v0;
	v0 =	vld.idx.msk [tilespmem:v23+s4+$0x0], $0xffff  }
0x59: {  	[tilespmem:$0x1FFB0] =	vst v12;
	v35 =	vor.u32 v34, v15;
	v62 =	vor.u32 v34, v9;
	v15 =	vand.u32 $0xC00, v11;
	v1 =	vld.idx.msk [tilespmem:v4+s12+$0x0], $0xffff  }
0x5a: {  	[tilespmem:$0x1FFA0] =	vst v11;
	v8 =	vor.u32 v12, v38;
	v28 =	vand.u32 $0xC00, v13;
	v9 =	vor.u32 v36, v38;
	v18 =	vld.idx.msk [tilespmem:v47+s4+$0x0], $0xffff  }
0x5b: {  	s25 =	simm.s32 $0x1F;
	s24 =	sadd.s32 s22, s24;
	[tilespmem:$0x1FFC0] =	vst v13;
	v4 =	vor.u32 v33, v38;
	v23 =	vld.idx.msk [tilespmem:v48+s12+$0x0], $0xffff;
	v47 =	vimm.f32 $0.0e+00;
	v48 =	vimm.f32 $0.0e+00  }
.LBB2_4:
0x5c: {  	p1 =	sne.s32 s25, $0x1;
	s25 =	sadd.s32 $0xFFFFFFFF, s25;
	v3 =	vor.u32 v3, v8;
	v8 =	vadd.f32 v59, v42;
	v7 =	vor.u32 v63, v7;
	v42 =	vld.idx.msk [tilespmem:v55+s12+$0x0], $0xffff  }
0x5d: {  	v59 =	vadd.s32 $0xA, v41;
	v63 =	vadd.s32 $0xE, v41;
	v9 =	vor.u32 v15, v9;
	v55 =	vmovc v41;
	v16 =	vld.idx.msk [tilespmem:v16+s12+$0x0], $0xffff  }
0x5e: {  	v6 =	vor.u32 v28, v6;
	v10 =	vand.u32 $0x7F, v59;
	v59 =	vshll.u32 v59, $0x3;
	v5 =	vld.idx.msk [tilespmem:v5+s4+$0x0], $0xffff  }
0x5f: {  	v36 =	vor.u32 v36, v39;
	v59 =	vand.u32 $0xC00, v59;
	v11 =	vor.u32 v10, v39;
	v12 =	vld.idx.msk [tilespmem:v60+s4+$0x0], $0xffff  }
0x60: {  	v10 =	vor.u32 v10, v38;
	v60 =	vor.u32 v59, v11;
	v11 =	vand.u32 $0x7F, v63;
	v35 =	vld.idx.msk [tilespmem:v35+s4+$0x0], $0xffff  }
0x61: {  	v15 =	vor.u32 v15, v36;
	v59 =	vor.u32 v59, v10;
	v10 =	vshll.u32 v63, $0x3;
	v7 =	vld.idx.msk [tilespmem:v7+s12+$0x0], $0xffff  }
0x62: {  	v4 =	vor.u32 v28, v4;
	v36 =	vadd.s32 $0xB, v41;
	v10 =	vand.u32 $0xC00, v10;
	v9 =	vld.idx.msk [tilespmem:v9+s4+$0x0], $0xffff  }
0x63: {  	v44 =	vand.u32 $0xC00, v44;
	v45 =	vor.u32 v45, v38;
	v28 =	vand.u32 $0x7F, v36;
	v3 =	vld.idx.msk [tilespmem:v3+s4+$0x0], $0xffff  }
0x64: {  	v46 =	vor.u32 v44, v46;
	v44 =	vor.u32 v44, v45;
	v63 =	vor.u32 v28, v38;
	v13 =	vld.idx.msk [tilespmem:v62+s12+$0x0], $0xffff  }
0x65: {  	v36 =	vshll.u32 v36, $0x3;
	v45 =	vor.u32 v11, v38;
	v16 =	vmul.f32 v0, v16;
	v6 =	vld.idx.msk [tilespmem:v6+s12+$0x0], $0xffff  }
0x66: {  	v36 =	vand.u32 $0xC00, v36;
	v0 =	vor.u32 v28, v39;
	v15 =	vld.idx.msk [tilespmem:v15+s12+$0x0], $0xffff  }
0x67: {  	v11 =	vor.u32 v11, v39;
	v0 =	vor.u32 v36, v0;
	v12 =	vmul.f32 v12, v42;
	v4 =	vld.idx.msk [tilespmem:v4+s4+$0x0], $0xffff  }
0x68: {  	v63 =	vor.u32 v36, v63;
	v62 =	vor.u32 v10, v11;
	v11 =	vmul.f32 v57, v61;
	v28 =	vld.idx.msk [tilespmem:v40+s4+$0x0], $0xffff  }
0x69: {  	v5 =	vmul.f32 v5, v7;
	v7 =	vmul.f32 v18, v23;
	v40 =	vor.u32 v10, v45;
	v10 =	vld.idx.msk [tilespmem:v46+s12+$0x0], $0xffff  }
0x6a: {  	v1 =	vmul.f32 v3, v1;
	v3 =	vadd.f32 v16, v47;
	v13 =	vmul.f32 v35, v13;
	v16 =	vld.idx.msk [tilespmem:v44+s4+$0x0], $0xffff  }
0x6b: {  	v18 =	vadd.s32 $0x8, v41;
	v5 =	vadd.f32 v5, v8;
	v8 =	vmul.f32 v56, v58  }
0x6c: {  	v23 =	vand.u32 $0x7F, v18;
	v3 =	vadd.f32 v13, v3;
	v13 =	vmul.f32 v51, v49  }
0x6d: {  	v35 =	vor.u32 v23, v38;
	v9 =	vmul.f32 v9, v15;
	v4 =	vmul.f32 v4, v6  }
0x6e: {  	v5 =	vadd.f32 v7, v5;
	v3 =	vadd.f32 v13, v3;
	v6 =	vmul.f32 v28, v54  }
0x6f: {  	v1 =	vadd.f32 v1, v48;
	v7 =	vadd.f32 v9, v50;
	v9 =	vmul.f32 v53, v52  }
0x70: {  	v42 =	vadd.f32 v8, v5;
	v13 =	vadd.s32 $0xC, v41;
	v47 =	vadd.f32 v6, v3  }
0x71: {  	v5 =	vshll.u32 v13, $0x3;
	v3 =	vand.u32 $0x7F, v13;
	v6 =	vadd.f32 v12, v7  }
0x72: {  	v1 =	vadd.f32 v4, v1;
	v7 =	vor.u32 v3, v39;
	v3 =	vor.u32 v3, v38  }
0x73: {  	v4 =	vshll.u32 v18, $0x3;
	v5 =	vand.u32 $0xC00, v5;
	v8 =	vmul.f32 v16, v10  }
0x74: {  	v1 =	vadd.f32 v43, v1;
	v7 =	vor.u32 v5, v7;
	v5 =	vor.u32 v5, v3  }
0x75: {  	v3 =	vand.u32 $0xC00, v4;
	v4 =	vor.u32 v23, v39;
	v6 =	vadd.f32 v9, v6  }
0x76: {  	v4 =	vor.u32 v3, v4;
	v3 =	vor.u32 v3, v35;
	v48 =	vadd.f32 v11, v1  }
0x77: {  	v50 =	vadd.f32 v8, v6  }
0x78: {  	v1 =	vadd.s32 $0xF, v41;
	v6 =	vadd.s32 $0x10, v41  }
0x79: {  	v9 =	vadd.s32 $0xD, v41;
	v8 =	vadd.s32 $0x6, v41;
	v44 =	vshll.u32 v1, $0x3  }
0x7a: {  	v10 =	vadd.s32 $0x4, v41;
	v11 =	vadd.s32 $0x9, v41;
	v45 =	vand.u32 $0x7F, v1  }
0x7b: {  	v12 =	vadd.s32 $0x5, v41;
	v1 =	vadd.s32 $0x3, v41;
	v46 =	vor.u32 v45, v39;
	v4 =	vld.idx.msk [tilespmem:v4+s12+$0x0], $0xffff  }
0x7c: {  	v15 =	vshll.u32 v55, $0x3;
	v13 =	vand.u32 $0x7F, v55;
	v41 =	vand.u32 $0x1FF, v6;
	v3 =	vld.idx.msk [tilespmem:v3+s4+$0x0], $0xffff  }
0x7d: {  	v16 =	vadd.s32 $0x2, v55;
	v18 =	vshll.u32 v9, $0x3;
	v6 =	vadd.s32 $0x1, v55  }
0x7e: {  	v18 =	vand.u32 $0xC00, v18;
	v23 =	vand.u32 $0x7F, v6;
	v6 =	vshll.u32 v6, $0x3  }
0x7f: {  	v28 =	vshll.u32 v16, $0x3;
	v9 =	vand.u32 $0x7F, v9;
	v6 =	vand.u32 $0xC00, v6  }
0x80: {  	v51 =	vor.u32 v9, v39;
	v35 =	vor.u32 v23, v39;
	v23 =	vor.u32 v23, v38  }
0x81: {  	v9 =	vor.u32 v9, v38;
	v52 =	vshll.u32 v1, $0x3;
	v35 =	vor.u32 v6, v35  }
0x82: {  	v36 =	vand.u32 $0x7F, v1;
	v6 =	vor.u32 v6, v23;
	v43 =	vmul.f32 v3, v4  }
0x83: {  	v1 =	vand.u32 $0x7F, v16;
	v9 =	vor.u32 v18, v9;
	v4 =	vand.u32 $0xC00, v28  }
0x84: {  	v18 =	vor.u32 v18, v51;
	v16 =	vor.u32 v1, v39;
	v1 =	vor.u32 v1, v38;
	v49 =	vld.idx.msk [tilespmem:v60+s12+$0x0], $0xffff  }
0x85: {  	v23 =	vshll.u32 v11, $0x3;
	v3 =	vand.u32 $0xC00, v15;
	v15 =	vand.u32 $0xC00, v52;
	v51 =	vld.idx.msk [tilespmem:v59+s4+$0x0], $0xffff  }
0x86: {  	v58 =	vand.u32 $0x7F, v12;
	v23 =	vand.u32 $0xC00, v23;
	v28 =	vor.u32 v13, v39;
	v35 =	vld.idx.msk [tilespmem:v35+s12+$0x0], $0xffff  }
0x87: {  	v12 =	vshll.u32 v12, $0x3;
	v11 =	vand.u32 $0x7F, v11;
	v28 =	vor.u32 v3, v28;
	v52 =	vld.idx.msk [tilespmem:v0+s12+$0x0], $0xffff  }
0x88: {  	v56 =	vor.u32 v11, v39;
	v0 =	vor.u32 v4, v1;
	v1 =	vadd.s32 $0x7, v55;
	v6 =	vld.idx.msk [tilespmem:v6+s4+$0x0], $0xffff  }
0x89: {  	v11 =	vor.u32 v11, v38;
	v57 =	vand.u32 $0x7F, v1;
	v1 =	vshll.u32 v1, $0x3;
	v53 =	vld.idx.msk [tilespmem:v63+s4+$0x0], $0xffff  }
0x8a: {  	v11 =	vor.u32 v23, v11;
	v1 =	vand.u32 $0xC00, v1;
	v55 =	vor.u32 v57, v39;
	v54 =	vld.idx.msk [tilespmem:v62+s12+$0x0], $0xffff  }
0x8b: {  	v23 =	vor.u32 v23, v56;
	v59 =	vor.u32 v57, v38;
	v55 =	vor.u32 v1, v55;
	v57 =	vld.idx.msk [tilespmem:v5+s4+$0x0], $0xffff  }
0x8c: {  	v56 =	vand.u32 $0x7F, v8;
	v8 =	vshll.u32 v8, $0x3;
	v5 =	vor.u32 v58, v38;
	v61 =	vld.idx.msk [tilespmem:v7+s12+$0x0], $0xffff  }
0x8d: {  	v63 =	vand.u32 $0xC00, v12;
	v12 =	vor.u32 v56, v39;
	v62 =	vor.u32 v56, v38;
	v0 =	vld.idx.msk [tilespmem:v0+s4+$0x0], $0xffff  }
.Ltmp2:
0x8e: {  	v14 =	vand.u32 $0xC00, v8;
	v16 =	vor.u32 v4, v16;
	v4 =	vand.u32 $0x7F, v10;
	v56 =	vld.idx.msk [tilespmem:v9+s4+$0x0], $0xffff;
	(pc) =	sbr.rel @p1 .LBB2_4-.Ltmp2, $4  }
0x8f: {  	v60 =	vor.u32 v1, v59;
	v7 =	vor.u32 v58, v39;
	v9 =	vshll.u32 v10, $0x3;
	v58 =	vld.idx.msk [tilespmem:v18+s12+$0x0], $0xffff  }
0x90: {  	v5 =	vor.u32 v63, v5;
	v59 =	vmul.f32 v6, v35;
	v35 =	vor.u32 v14, v62;
	v1 =	vld.idx.msk [tilespmem:v28+s12+$0x0], $0xffff  }
0x91: {  	v8 =	vor.u32 v13, v38;
	v62 =	vor.u32 v14, v12;
	v28 =	vand.u32 $0xC00, v9;
	v18 =	vld.idx.msk [tilespmem:v11+s4+$0x0], $0xffff  }
0x92: {  	v6 =	vor.u32 v4, v39;
	v4 =	vor.u32 v4, v38;
	v9 =	vor.u32 v36, v38;
	v23 =	vld.idx.msk [tilespmem:v23+s12+$0x0], $0xffff  }
0x93: {  	_ =	sdelay $0x3  }
0x94: {  	v10 =	vld.idx.msk [tilespmem:v55+s12+$0x0], $0xffff  }
0x95: {  	v7 =	vor.u32 v63, v7;
	v11 =	vld.idx.msk [tilespmem:v16+s12+$0x0], $0xffff  }
0x96: {  	v9 =	vor.u32 v15, v9;
	v5 =	vld.idx.msk [tilespmem:v5+s4+$0x0], $0xffff  }
0x97: {  	v3 =	vor.u32 v3, v8;
	v39 =	vor.u32 v36, v39;
	v12 =	vld.idx.msk [tilespmem:v60+s4+$0x0], $0xffff  }
0x98: {  	v13 =	vld.idx.msk [tilespmem:v35+s4+$0x0], $0xffff;
	v8 =	vor.u32 v15, v39  }
0x99: {  	v6 =	vor.u32 v28, v6;
	v15 =	vld.idx.msk [tilespmem:v62+s12+$0x0], $0xffff  }
0x9a: {  	v4 =	vor.u32 v28, v4;
	v7 =	vld.idx.msk [tilespmem:v7+s12+$0x0], $0xffff  }
0x9b: {  	v9 =	vld.idx.msk [tilespmem:v9+s4+$0x0], $0xffff  }
0x9c: {  	v14 =	vand.u32 $0xC00, v44;
	v3 =	vld.idx.msk [tilespmem:v3+s4+$0x0], $0xffff  }
0x9d: {  	v16 =	vor.u32 v45, v38;
	v28 =	vor.u32 v14, v46;
	v8 =	vld.idx.msk [tilespmem:v8+s12+$0x0], $0xffff  }
0x9e: {  	v14 =	vor.u32 v14, v16;
	v6 =	vld.idx.msk [tilespmem:v6+s12+$0x0], $0xffff  }
0x9f: {  	v41 =	vmul.f32 v57, v61;
	v4 =	vld.idx.msk [tilespmem:v4+s4+$0x0], $0xffff  }
0xa0: {  	v55 =	vmul.f32 v56, v58;
	v45 =	vmul.f32 v18, v23  }
0xa1: {  	v16 =	vld.idx.msk [tilespmem:v40+s4+$0x0], $0xffff;
	v0 =	vmul.f32 v0, v11;
	v10 =	vmul.f32 v12, v10  }
0xa2: {  	v44 =	vadd.f32 v59, v42;
	v18 =	vld.idx.msk [tilespmem:v28+s12+$0x0], $0xffff;
	v1 =	vmul.f32 v3, v1;
	v3 =	vmul.f32 v9, v8  }
0xa3: {  	v46 =	vmul.f32 v13, v15;
	v0 =	vadd.f32 v0, v47;
	v47 =	vld.idx.msk [tilespmem:v14+s4+$0x0], $0xffff;
	v5 =	vmul.f32 v5, v7  }
0xa4: {  	v4 =	vmul.f32 v4, v6;
	v1 =	vadd.f32 v1, v48;
	v3 =	vadd.f32 v3, v50  }
0xa5: {  	v56 =	vmul.f32 v51, v49;
	v0 =	vadd.f32 v46, v0;
	v5 =	vadd.f32 v5, v44  }
0xa6: {  	v57 =	vmul.f32 v53, v52;
	v1 =	vadd.f32 v4, v1;
	v3 =	vadd.f32 v10, v3  }
0xa7: {  	v59 =	vmul.f32 v16, v54;
	v0 =	vadd.f32 v56, v0;
	v58 =	vadd.f32 v45, v5  }
0xa8: {  	v60 =	vmul.f32 v47, v18;
	v1 =	vadd.f32 v43, v1;
	v3 =	vadd.f32 v57, v3  }
0xa9: {  	v0 =	vadd.f32 v59, v0;
	v4 =	vadd.f32 v55, v58  }
0xaa: {  	v61 =	vld.idx.msk [tilespmem:v37+s14+$0x0], $0xffff;
	v1 =	vadd.f32 v41, v1;
	v3 =	vadd.f32 v60, v3;
	_ =	sdelay $0x1  }
0xab: {  	v1 =	vadd.f32 v4, v1;
	v0 =	vadd.f32 v3, v0;
	_ =	sdelay $0x1  }
0xac: {  	v0 =	vadd.f32 v0, v1  }
0xad: {  	vm0 =	vgt.s32 v61, $0x0  }
0xae: {  	v0 =	vnsel vm0, $0x3F800000, v0  }
0xaf: {  	v1 =	vand.u32 $0x7FFFFF, v0  }
0xb0: {  	v1 =	vor.u32 $0x3F800000, v1  }
0xb1: {  	v3 =	vmul.f32 $5.000000000e-01, v1  }
0xb2: {  	vm1 =	vgt.f32 v1, $1.414213540e+00  }
0xb3: {  	v1 =	vsel vm1, v3, v1  }
0xb4: {  	v3 =	vadd.f32 $1.000000000e+00, v1;
	_ =	sdelay $0x1  }
0xb5: {  	(erf) = vrcp.f32 v3;
	_ =	sdelay $0x7  }
0xb6: {  	v1 =	vadd.f32 $-1.000000000e+00, v1  }
0xb7: {  	v3 =	vpop (erf)  }
0xb8: {  	v1 =	vmul.f32 v3, v1;
	_ =	sdelay $0x1  }
0xb9: {  	v3 =	vmul.f32 v1, v1;
	_ =	sdelay $0x1  }
0xba: {  	v62 =	vmul.f32 $1.428571490e-01, v3;
	_ =	sdelay $0x1  }
0xbb: {  	v4 =	vadd.f32 $2.000000030e-01, v62;
	_ =	sdelay $0x1  }
0xbc: {  	v4 =	vmul.f32 v4, v3;
	_ =	sdelay $0x1  }
0xbd: {  	v4 =	vadd.f32 $3.333333430e-01, v4  }
0xbe: {  	v63 =	vimm.s32 $0xFFFFFF81;
	v0 =	vshrl.u32 v0, $0x17  }
0xbf: {  	v0 =	vand.u32 $0xFF, v0;
	v5 =	vsel vm1, $0xFFFFFF82, v63;
	v3 =	vmul.f32 v4, v3  }
0xc0: {  	v0 =	vadd.s32 v0, v5  }
0xc1: {  	v0 =	vcvt.s32.f32 v0;
	v1 =	vadd.f32 v1, v1;
	v3 =	vadd.f32 $1.000000000e+00, v3  }
0xc2: {  	s23 =	sadd.s32 $0x1, s23  }
0xc3: {  	p1 =	sne.s32 s23, $0x4;
	v0 =	vmul.f32 $6.931471820e-01, v0;
	v1 =	vmul.f32 v3, v1  }
.Ltmp3:
0xc4: {  	_ = 	snop;
	(pc) =	sbr.rel @p1 .LBB2_3-.Ltmp3, $3  }
0xc5: {  	v0 =	vadd.f32 v1, v0;
	_ =	sdelay $0x1  }
0xc6: {  	v0 =	vnsel vm0, $0x0, v0  }
0xc7: {  	[tilespmem:s24+$0x2180] =	vst v0  }
0xc8: {  	s23 =	simm.s32 @p0 $0x0;
	s24 =	simm.s32 @p0 $0x2280  }
0xc9: {  	[tilespmem:s24], [sflag:$0x1] =	stream.linear.gather @p0 [hbm4b:s8+s23], $0x8000, $0x38;
	[tilespmem:$0x12280] =	vst v63  }
0xca: {  	s22 =	sor.u32 $0x40, s22;
	_ =	swait.ge [sflag:s18], $0x8000  }
0xcb: {  	v0 =	vmov s22;
	[sflag:s18] =	ssyncset.done $0x0  }
0xcc: {  	s23 =	simm.s32 $0x0;
	[tilespmem:$0x1FEA0] =	vst v0;
	[sflag:s18] =	ssyncadd.s32 $0xFFFF8000  }
.LBB2_7:
0xcd: {  	v0 =	vld [tilespmem:$0x1FEA0];
	_ =	sdelay $0x6  }
0xce: {  	s24 =	sshll.u32 s23, $0x4  }
0xcf: {  	v37 =	vld.idx.msk [tilespmem:v0+s24+$0x2080 ss:$0x1], $0xffff  }
0xd0: {  	v4 =	vld [tilespmem:$0x1FFE0]  }
0xd1: {  	v0 =	vmov s24  }
0xd2: {  	v0 =	vshll.u32 v0, $0x9  }
0xd3: {  	v0 =	vor.u32 v17, v0  }
0xd4: {  	v0 =	vand.u32 $0x7000, v0;
	v1 =	vshll.u32 v37, $0x9;
	v3 =	vshll.u32 v37, $0x7  }
0xd5: {  	v39 =	vor.u32 v4, v0;
	v0 =	vand.u32 $0xFFFFF000, v1;
	v1 =	vand.u32 $0x380, v3  }
0xd6: {  	v38 =	vor.u32 v0, v1;
	v1 =	vld [tilespmem:$0x1FF20]  }
0xd7: {  	v5 =	vld [tilespmem:$0x1FF40];
	_ =	sdelay $0x3  }
0xd8: {  	v4 =	vld [tilespmem:$0x1FEB0];
	v0 =	vor.u32 v1, v39;
	v1 =	vor.u32 v1, v38  }
0xd9: {  	v0 =	vor.u32 v5, v0;
	v1 =	vor.u32 v5, v1;
	v5 =	vld [tilespmem:$0x1FEC0]  }
0xda: {  	v6 =	vld [tilespmem:$0x1FED0]  }
0xdb: {  	v10 =	vld [tilespmem:$0x1FEF0];
	_ =	sdelay $0x1  }
0xdc: {  	v3 =	vor.u32 v4, v39  }
0xdd: {  	v4 =	vor.u32 v4, v38;
	v3 =	vor.u32 v5, v3  }
0xde: {  	v9 =	vld [tilespmem:$0x1FEE0];
	v4 =	vor.u32 v5, v4;
	v5 =	vor.u32 v6, v38;
	v6 =	vor.u32 v6, v39  }
0xdf: {  	v6 =	vor.u32 v10, v6;
	v5 =	vor.u32 v10, v5;
	v10 =	vld [tilespmem:$0x1FF00]  }
0xe0: {  	v11 =	vld [tilespmem:$0x1FF10]  }
0xe1: {  	v12 =	vld [tilespmem:$0x1FF30];
	_ =	sdelay $0x1  }
0xe2: {  	v7 =	vor.u32 v9, v38;
	v9 =	vor.u32 v9, v39  }
0xe3: {  	v9 =	vor.u32 v10, v9  }
0xe4: {  	v40 =	vor.u32 v10, v7;
	v10 =	vor.u32 v11, v39;
	v11 =	vor.u32 v11, v38  }
0xe5: {  	v10 =	vor.u32 v12, v10;
	v11 =	vor.u32 v12, v11;
	v12 =	vld [tilespmem:$0x1FF50];
	_ =	sdelay $0x2  }
0xe6: {  	v47 =	vld.idx.msk [tilespmem:v3+s13+$0x0], $0xffff  }
0xe7: {  	v3 =	vld [tilespmem:$0x1FF60]  }
0xe8: {  	v50 =	vand.u32 $0x7F, v12;
	v51 =	vshll.u32 v12, $0x3;
	v12 =	vld [tilespmem:$0x1FF90]  }
0xe9: {  	v8 =	vor.u32 v19, v39;
	v0 =	vld.idx.msk [tilespmem:v0+s13+$0x0], $0xffff  }
0xea: {  	v8 =	vor.u32 v21, v8;
	v1 =	vld.idx.msk [tilespmem:v1+s4+$0x0], $0xffff;
	_ =	sdelay $0x1  }
0xeb: {  	v17 =	vld [tilespmem:$0x1FFB0];
	v41 =	vand.u32 $0x1FF, v3;
	v3 =	vor.u32 v22, v39  }
0xec: {  	v57 =	vand.u32 $0x7F, v12;
	v12 =	vor.u32 v20, v3;
	v3 =	vld [tilespmem:$0x1FF70]  }
0xed: {  	v48 =	vld.idx.msk [tilespmem:v4+s4+$0x0], $0xffff;
	v4 =	vor.u32 v22, v38  }
0xee: {  	v8 =	vld.idx.msk [tilespmem:v8+s13+$0x0], $0xffff;
	v42 =	vmul.f32 v1, v0;
	v1 =	vor.u32 v20, v4  }
0xef: {  	v49 =	vld.idx.msk [tilespmem:v6+s13+$0x0], $0xffff  }
0xf0: {  	v53 =	vld.idx.msk [tilespmem:v5+s4+$0x0], $0xffff  }
0xf1: {  	v7 =	vor.u32 v19, v38;
	v15 =	vand.u32 $0xC00, v3;
	v3 =	vld [tilespmem:$0x1FFA0]  }
0xf2: {  	v0 =	vor.u32 v24, v38;
	v7 =	vor.u32 v21, v7;
	v54 =	vld.idx.msk [tilespmem:v9+s13+$0x0], $0xffff  }
0xf3: {  	v43 =	vimm.f32 $0.0e+00;
	v44 =	vimm.f32 $0.0e+00;
	v0 =	vor.u32 v25, v0;
	v56 =	vld.idx.msk [tilespmem:v1+s4+$0x0], $0xffff  }
0xf4: {  	v45 =	vimm.f32 $0.0e+00;
	v46 =	vimm.f32 $0.0e+00;
	v6 =	vor.u32 v29, v39;
	v58 =	vld.idx.msk [tilespmem:v11+s4+$0x0], $0xffff  }
0xf5: {  	v14 =	vor.u32 v26, v38;
	v16 =	vor.u32 v32, v38;
	v11 =	vor.u32 v27, v6;
	v6 =	vld [tilespmem:$0x1FF80]  }
0xf6: {  	v16 =	vor.u32 v34, v16;
	v1 =	vld [tilespmem:$0x1FFC0];
	v62 =	vand.u32 $0xC00, v3;
	v3 =	vor.u32 v17, v39  }
0xf7: {  	v4 =	vor.u32 v24, v39;
	v7 =	vld.idx.msk [tilespmem:v7+s4+$0x0], $0xffff;
	v13 =	vor.u32 v15, v3;
	v3 =	vor.u32 v29, v38  }
0xf8: {  	v5 =	vor.u32 v30, v39;
	v61 =	vor.u32 v25, v4;
	v0 =	vld.idx.msk [tilespmem:v0+s4+$0x0], $0xffff;
	v9 =	vor.u32 v27, v3  }
0xf9: {  	v4 =	vor.u32 v33, v38;
	v63 =	vld.idx.msk [tilespmem:v10+s13+$0x0], $0xffff;
	v10 =	vor.u32 v32, v39;
	v3 =	vor.u32 v31, v5  }
0xfa: {  	v52 =	vor.u32 v50, v39;
	v60 =	vand.u32 $0xC00, v6;
	v23 =	vld.idx.msk [tilespmem:v11+s13+$0x0], $0xffff;
	v5 =	vor.u32 v30, v38  }
0xfb: {  	v28 =	vand.u32 $0xC00, v1;
	v59 =	vld.idx.msk [tilespmem:v12+s13+$0x0], $0xffff;
	v35 =	vor.u32 v31, v5;
	v5 =	vor.u32 v60, v14  }
0xfc: {  	v1 =	vor.u32 v34, v10;
	v6 =	vor.u32 v26, v39;
	v55 =	vmul.f32 v7, v8;
	v36 =	vld.idx.msk [tilespmem:v13+s13+$0x0], $0xffff  }
0xfd: {  	s25 =	simm.s32 $0x1F;
	s24 =	sadd.s32 s22, s24;
	v8 =	vor.u32 v17, v38;
	v7 =	vor.u32 v33, v39;
	v18 =	vld.idx.msk [tilespmem:v9+s4+$0x0], $0xffff;
	v9 =	vor.u32 v57, v38  }
.LBB2_8:
0xfe: {  	p1 =	sne.s32 s25, $0x1;
	s25 =	sadd.s32 $0xFFFFFFFF, s25;
	v8 =	vor.u32 v15, v8;
	v10 =	vadd.f32 v55, v43;
	v6 =	vor.u32 v60, v6;
	v3 =	vld.idx.msk [tilespmem:v3+s13+$0x0], $0xffff  }
0xff: {  	v11 =	vadd.s32 $0xA, v41;
	v12 =	vadd.s32 $0xE, v41;
	v9 =	vor.u32 v62, v9;
	v55 =	vmovc v41;
	v13 =	vld.idx.msk [tilespmem:v61+s13+$0x0], $0xffff  }
0x100: {  	v7 =	vor.u32 v28, v7;
	v14 =	vand.u32 $0x7F, v11;
	v11 =	vshll.u32 v11, $0x3;
	v5 =	vld.idx.msk [tilespmem:v5+s4+$0x0], $0xffff  }
0x101: {  	v43 =	vor.u32 v57, v39;
	v11 =	vand.u32 $0xC00, v11;
	v15 =	vor.u32 v14, v39;
	v35 =	vld.idx.msk [tilespmem:v35+s4+$0x0], $0xffff  }
0x102: {  	v14 =	vor.u32 v14, v38;
	v61 =	vor.u32 v11, v15;
	v15 =	vand.u32 $0x7F, v12;
	v16 =	vld.idx.msk [tilespmem:v16+s4+$0x0], $0xffff  }
0x103: {  	v60 =	vor.u32 v11, v14;
	v11 =	vshll.u32 v12, $0x3;
	v12 =	vor.u32 v62, v43;
	v6 =	vld.idx.msk [tilespmem:v6+s13+$0x0], $0xffff  }
0x104: {  	v4 =	vor.u32 v28, v4;
	v14 =	vadd.s32 $0xB, v41;
	v11 =	vand.u32 $0xC00, v11;
	v9 =	vld.idx.msk [tilespmem:v9+s4+$0x0], $0xffff  }
0x105: {  	v50 =	vor.u32 v50, v38;
	v43 =	vand.u32 $0xC00, v51;
	v28 =	vand.u32 $0x7F, v14;
	v8 =	vld.idx.msk [tilespmem:v8+s4+$0x0], $0xffff  }
0x106: {  	v52 =	vor.u32 v43, v52;
	v43 =	vor.u32 v43, v50;
	v51 =	vor.u32 v28, v38;
	v57 =	vld.idx.msk [tilespmem:v1+s13+$0x0], $0xffff  }
0x107: {  	v13 =	vmul.f32 v0, v13;
	v1 =	vshll.u32 v14, $0x3;
	v14 =	vor.u32 v15, v38;
	v7 =	vld.idx.msk [tilespmem:v7+s13+$0x0], $0xffff  }
0x108: {  	v0 =	vand.u32 $0xC00, v1;
	v1 =	vor.u32 v28, v39;
	v12 =	vld.idx.msk [tilespmem:v12+s13+$0x0], $0xffff  }
0x109: {  	v15 =	vor.u32 v15, v39;
	v28 =	vmul.f32 v35, v3;
	v1 =	vor.u32 v0, v1;
	v4 =	vld.idx.msk [tilespmem:v4+s4+$0x0], $0xffff  }
0x10a: {  	v3 =	vor.u32 v11, v15;
	v15 =	vmul.f32 v58, v63;
	v0 =	vor.u32 v0, v51;
	v35 =	vld.idx.msk [tilespmem:v40+s4+$0x0], $0xffff  }
0x10b: {  	v5 =	vmul.f32 v5, v6;
	v6 =	vmul.f32 v18, v23;
	v40 =	vor.u32 v11, v14;
	v11 =	vld.idx.msk [tilespmem:v52+s13+$0x0], $0xffff  }
0x10c: {  	v13 =	vadd.f32 v13, v44;
	v8 =	vmul.f32 v8, v36;
	v14 =	vmul.f32 v16, v57;
	v16 =	vld.idx.msk [tilespmem:v43+s4+$0x0], $0xffff  }
0x10d: {  	v18 =	vadd.s32 $0x8, v41;
	v5 =	vadd.f32 v5, v10;
	v10 =	vmul.f32 v56, v59  }
0x10e: {  	v23 =	vand.u32 $0x7F, v18;
	v13 =	vadd.f32 v14, v13;
	v14 =	vmul.f32 v48, v47  }
0x10f: {  	v36 =	vor.u32 v23, v38;
	v9 =	vmul.f32 v9, v12;
	v4 =	vmul.f32 v4, v7  }
0x110: {  	v5 =	vadd.f32 v6, v5;
	v6 =	vadd.f32 v14, v13;
	v7 =	vmul.f32 v35, v54  }
0x111: {  	v8 =	vadd.f32 v8, v45;
	v12 =	vmul.f32 v53, v49;
	v9 =	vadd.f32 v9, v46  }
0x112: {  	v43 =	vadd.f32 v10, v5;
	v13 =	vadd.s32 $0xC, v41;
	v44 =	vadd.f32 v7, v6  }
0x113: {  	v5 =	vand.u32 $0x7F, v13;
	v6 =	vshll.u32 v13, $0x3;
	v7 =	vadd.f32 v28, v9  }
0x114: {  	v4 =	vadd.f32 v4, v8;
	v9 =	vor.u32 v5, v39;
	v5 =	vor.u32 v5, v38  }
0x115: {  	v8 =	vshll.u32 v18, $0x3;
	v10 =	vmul.f32 v16, v11;
	v6 =	vand.u32 $0xC00, v6  }
0x116: {  	v4 =	vadd.f32 v42, v4;
	v9 =	vor.u32 v6, v9;
	v5 =	vor.u32 v6, v5  }
0x117: {  	v6 =	vand.u32 $0xC00, v8;
	v8 =	vor.u32 v23, v39;
	v7 =	vadd.f32 v12, v7  }
0x118: {  	v8 =	vor.u32 v6, v8;
	v6 =	vor.u32 v6, v36;
	v45 =	vadd.f32 v15, v4  }
0x119: {  	v46 =	vadd.f32 v10, v7  }
0x11a: {  	v4 =	vadd.s32 $0xF, v41;
	v7 =	vadd.s32 $0x10, v41  }
0x11b: {  	v11 =	vadd.s32 $0xD, v41;
	v10 =	vadd.s32 $0x6, v41;
	v51 =	vshll.u32 v4, $0x3  }
0x11c: {  	v13 =	vadd.s32 $0x9, v41;
	v12 =	vadd.s32 $0x4, v41;
	v50 =	vand.u32 $0x7F, v4  }
0x11d: {  	v14 =	vadd.s32 $0x5, v41;
	v4 =	vadd.s32 $0x3, v41;
	v52 =	vor.u32 v50, v39;
	v8 =	vld.idx.msk [tilespmem:v8+s13+$0x0], $0xffff  }
0x11e: {  	v18 =	vand.u32 $0x7F, v55;
	v15 =	vshll.u32 v55, $0x3;
	v41 =	vand.u32 $0x1FF, v7;
	v6 =	vld.idx.msk [tilespmem:v6+s4+$0x0], $0xffff  }
0x11f: {  	v16 =	vadd.s32 $0x2, v55;
	v23 =	vshll.u32 v11, $0x3;
	v7 =	vadd.s32 $0x1, v55  }
0x120: {  	v23 =	vand.u32 $0xC00, v23;
	v28 =	vand.u32 $0x7F, v7;
	v7 =	vshll.u32 v7, $0x3  }
0x121: {  	v35 =	vshll.u32 v16, $0x3;
	v11 =	vand.u32 $0x7F, v11;
	v7 =	vand.u32 $0xC00, v7  }
0x122: {  	v48 =	vor.u32 v11, v39;
	v36 =	vor.u32 v28, v39;
	v28 =	vor.u32 v28, v38  }
0x123: {  	v11 =	vor.u32 v11, v38;
	v49 =	vshll.u32 v4, $0x3;
	v36 =	vor.u32 v7, v36  }
0x124: {  	v57 =	vand.u32 $0x7F, v4;
	v7 =	vor.u32 v7, v28;
	v42 =	vmul.f32 v6, v8  }
0x125: {  	v4 =	vand.u32 $0x7F, v16;
	v6 =	vand.u32 $0xC00, v35;
	v8 =	vor.u32 v23, v11  }
0x126: {  	v16 =	vor.u32 v23, v48;
	v11 =	vor.u32 v4, v39;
	v4 =	vor.u32 v4, v38;
	v47 =	vld.idx.msk [tilespmem:v61+s13+$0x0], $0xffff  }
0x127: {  	v15 =	vand.u32 $0xC00, v15;
	v62 =	vand.u32 $0xC00, v49;
	v23 =	vshll.u32 v13, $0x3;
	v48 =	vld.idx.msk [tilespmem:v60+s4+$0x0], $0xffff  }
0x128: {  	v28 =	vor.u32 v18, v39;
	v35 =	vand.u32 $0x7F, v14;
	v23 =	vand.u32 $0xC00, v23;
	v17 =	vld.idx.msk [tilespmem:v36+s13+$0x0], $0xffff  }
0x129: {  	v28 =	vor.u32 v15, v28;
	v14 =	vshll.u32 v14, $0x3;
	v13 =	vand.u32 $0x7F, v13;
	v49 =	vld.idx.msk [tilespmem:v1+s13+$0x0], $0xffff  }
0x12a: {  	v4 =	vor.u32 v6, v4;
	v36 =	vor.u32 v13, v39;
	v1 =	vld.idx.msk [tilespmem:v7+s4+$0x0], $0xffff;
	v7 =	vadd.s32 $0x7, v55  }
0x12b: {  	v13 =	vor.u32 v13, v38;
	v55 =	vand.u32 $0x7F, v7;
	v7 =	vshll.u32 v7, $0x3;
	v53 =	vld.idx.msk [tilespmem:v0+s4+$0x0], $0xffff  }
0x12c: {  	v13 =	vor.u32 v23, v13;
	v7 =	vand.u32 $0xC00, v7;
	v0 =	vor.u32 v55, v39;
	v54 =	vld.idx.msk [tilespmem:v3+s13+$0x0], $0xffff  }
0x12d: {  	v23 =	vor.u32 v23, v36;
	v55 =	vor.u32 v55, v38;
	v3 =	vor.u32 v7, v0;
	v58 =	vld.idx.msk [tilespmem:v5+s4+$0x0], $0xffff  }
0x12e: {  	v36 =	vand.u32 $0x7F, v10;
	v10 =	vshll.u32 v10, $0x3;
	v5 =	vor.u32 v35, v38;
	v63 =	vld.idx.msk [tilespmem:v9+s13+$0x0], $0xffff  }
0x12f: {  	v60 =	vand.u32 $0xC00, v14;
	v9 =	vor.u32 v36, v38;
	v0 =	vld.idx.msk [tilespmem:v4+s4+$0x0], $0xffff;
	v4 =	vor.u32 v36, v39  }
.Ltmp4:
0x130: {  	v61 =	vor.u32 v6, v11;
	v11 =	vand.u32 $0x7F, v12;
	v10 =	vand.u32 $0xC00, v10;
	v56 =	vld.idx.msk [tilespmem:v8+s4+$0x0], $0xffff;
	(pc) =	sbr.rel @p1 .LBB2_8-.Ltmp4, $4  }
0x131: {  	v12 =	vshll.u32 v12, $0x3;
	v6 =	vor.u32 v35, v39;
	v35 =	vor.u32 v7, v55;
	v59 =	vld.idx.msk [tilespmem:v16+s13+$0x0], $0xffff  }
0x132: {  	v5 =	vor.u32 v60, v5;
	v55 =	vmul.f32 v1, v17;
	v16 =	vor.u32 v10, v9;
	v36 =	vld.idx.msk [tilespmem:v28+s13+$0x0], $0xffff  }
0x133: {  	v8 =	vor.u32 v18, v38;
	v1 =	vor.u32 v10, v4;
	v28 =	vand.u32 $0xC00, v12;
	v18 =	vld.idx.msk [tilespmem:v13+s4+$0x0], $0xffff  }
0x134: {  	v7 =	vor.u32 v11, v39;
	v4 =	vor.u32 v11, v38;
	v9 =	vor.u32 v57, v38;
	v23 =	vld.idx.msk [tilespmem:v23+s13+$0x0], $0xffff  }
0x135: {  	_ =	sdelay $0x3  }
0x136: {  	v3 =	vld.idx.msk [tilespmem:v3+s13+$0x0], $0xffff  }
0x137: {  	v6 =	vor.u32 v60, v6;
	v10 =	vld.idx.msk [tilespmem:v61+s13+$0x0], $0xffff  }
0x138: {  	v9 =	vor.u32 v62, v9;
	v5 =	vld.idx.msk [tilespmem:v5+s4+$0x0], $0xffff  }
0x139: {  	v8 =	vor.u32 v15, v8;
	v11 =	vor.u32 v57, v39;
	v12 =	vld.idx.msk [tilespmem:v35+s4+$0x0], $0xffff  }
0x13a: {  	v13 =	vld.idx.msk [tilespmem:v16+s4+$0x0], $0xffff;
	v11 =	vor.u32 v62, v11  }
0x13b: {  	v7 =	vor.u32 v28, v7;
	v1 =	vld.idx.msk [tilespmem:v1+s13+$0x0], $0xffff  }
0x13c: {  	v4 =	vor.u32 v28, v4;
	v6 =	vld.idx.msk [tilespmem:v6+s13+$0x0], $0xffff  }
0x13d: {  	v9 =	vld.idx.msk [tilespmem:v9+s4+$0x0], $0xffff  }
0x13e: {  	v14 =	vand.u32 $0xC00, v51;
	v8 =	vld.idx.msk [tilespmem:v8+s4+$0x0], $0xffff  }
0x13f: {  	v15 =	vor.u32 v50, v38;
	v16 =	vor.u32 v14, v52;
	v11 =	vld.idx.msk [tilespmem:v11+s13+$0x0], $0xffff  }
0x140: {  	v14 =	vor.u32 v14, v15;
	v7 =	vld.idx.msk [tilespmem:v7+s13+$0x0], $0xffff  }
0x141: {  	v41 =	vmul.f32 v58, v63;
	v4 =	vld.idx.msk [tilespmem:v4+s4+$0x0], $0xffff  }
0x142: {  	v58 =	vmul.f32 v56, v59;
	v51 =	vmul.f32 v18, v23  }
0x143: {  	v15 =	vld.idx.msk [tilespmem:v40+s4+$0x0], $0xffff;
	v0 =	vmul.f32 v0, v10;
	v3 =	vmul.f32 v12, v3  }
0x144: {  	v50 =	vadd.f32 v55, v43;
	v16 =	vld.idx.msk [tilespmem:v16+s13+$0x0], $0xffff;
	v8 =	vmul.f32 v8, v36;
	v9 =	vmul.f32 v9, v11  }
0x145: {  	v1 =	vmul.f32 v13, v1;
	v52 =	vld.idx.msk [tilespmem:v14+s4+$0x0], $0xffff;
	v0 =	vadd.f32 v0, v44;
	v5 =	vmul.f32 v5, v6  }
0x146: {  	v4 =	vmul.f32 v4, v7;
	v55 =	vadd.f32 v8, v45;
	v57 =	vadd.f32 v9, v46  }
0x147: {  	v0 =	vadd.f32 v1, v0;
	v1 =	vmul.f32 v48, v47;
	v5 =	vadd.f32 v5, v50  }
0x148: {  	v59 =	vmul.f32 v53, v49;
	v4 =	vadd.f32 v4, v55;
	v3 =	vadd.f32 v3, v57  }
0x149: {  	v0 =	vadd.f32 v1, v0;
	v1 =	vmul.f32 v15, v54;
	v5 =	vadd.f32 v51, v5  }
0x14a: {  	v60 =	vmul.f32 v52, v16;
	v4 =	vadd.f32 v42, v4;
	v3 =	vadd.f32 v59, v3  }
0x14b: {  	v0 =	vadd.f32 v1, v0;
	v5 =	vadd.f32 v58, v5  }
0x14c: {  	v61 =	vld.idx.msk [tilespmem:v37+s14+$0x0], $0xffff;
	v1 =	vadd.f32 v41, v4;
	v3 =	vadd.f32 v60, v3;
	_ =	sdelay $0x1  }
0x14d: {  	v1 =	vadd.f32 v5, v1;
	v0 =	vadd.f32 v3, v0;
	_ =	sdelay $0x1  }
0x14e: {  	v0 =	vadd.f32 v0, v1  }
0x14f: {  	vm0 =	vgt.s32 v61, $0x0  }
0x150: {  	v0 =	vnsel vm0, $0x3F800000, v0  }
0x151: {  	v1 =	vand.u32 $0x7FFFFF, v0  }
0x152: {  	v1 =	vor.u32 $0x3F800000, v1  }
0x153: {  	v3 =	vmul.f32 $5.000000000e-01, v1  }
0x154: {  	vm1 =	vgt.f32 v1, $1.414213540e+00  }
0x155: {  	v1 =	vsel vm1, v3, v1  }
0x156: {  	v3 =	vadd.f32 $1.000000000e+00, v1;
	_ =	sdelay $0x1  }
0x157: {  	(erf) = vrcp.f32 v3;
	_ =	sdelay $0x7  }
0x158: {  	v1 =	vadd.f32 $-1.000000000e+00, v1  }
0x159: {  	v3 =	vpop (erf)  }
0x15a: {  	v1 =	vmul.f32 v3, v1;
	_ =	sdelay $0x1  }
0x15b: {  	v3 =	vmul.f32 v1, v1;
	_ =	sdelay $0x1  }
0x15c: {  	v62 =	vmul.f32 $1.428571490e-01, v3;
	_ =	sdelay $0x1  }
0x15d: {  	v4 =	vadd.f32 $2.000000030e-01, v62;
	_ =	sdelay $0x1  }
0x15e: {  	v4 =	vmul.f32 v4, v3;
	_ =	sdelay $0x1  }
0x15f: {  	v4 =	vadd.f32 $3.333333430e-01, v4  }
0x160: {  	v63 =	vimm.s32 $0xFFFFFF81;
	v0 =	vshrl.u32 v0, $0x17  }
0x161: {  	v0 =	vand.u32 $0xFF, v0;
	v5 =	vsel vm1, $0xFFFFFF82, v63;
	v3 =	vmul.f32 v4, v3  }
0x162: {  	v0 =	vadd.s32 v0, v5  }
0x163: {  	v0 =	vcvt.s32.f32 v0;
	v1 =	vadd.f32 v1, v1;
	v3 =	vadd.f32 $1.000000000e+00, v3  }
0x164: {  	s23 =	sadd.s32 $0x1, s23  }
0x165: {  	p1 =	sne.s32 s23, $0x4;
	v0 =	vmul.f32 $6.931471820e-01, v0;
	v1 =	vmul.f32 v3, v1  }
.Ltmp5:
0x166: {  	_ = 	snop;
	(pc) =	sbr.rel @p1 .LBB2_7-.Ltmp5, $3  }
0x167: {  	v0 =	vadd.f32 v1, v0;
	_ =	sdelay $0x1  }
0x168: {  	v0 =	vnsel vm0, $0x0, v0  }
0x169: {  	v17 =	vld [tilespmem:$0x1FFF0];
	[tilespmem:s24+$0x2180] =	vst v0  }
.Ltmp6:
0x16a: {  	(pc) =	sbr.rel @!p0 .LBB2_12-.Ltmp6, $1  }
0x16b: {  	_ =	sdelay $0x3  }
.Ltmp7:
0x16c: {  	(pc) =	sbr.rel .LBB2_2-.Ltmp7, $3  }
0x16d: {  	_ =	sdelay $0x1  }
0x16e: {  	[tilespmem:s13], [sflag:$0x2] =	stream.linear.gather [hbm4b:s9+s4], $0x8000, $0x38;
	[tilespmem:$0x12280] =	vst v63  }
0x16f: {  	s22 =	simm.s32 $0x80;
	p0 =	por $0x0, $0x0  }
.LBB2_13:
0x170: {  	_ =	sfence.sel $0x180000  }
0x171: {  	[bflag:$0x0] =	sbarrier.arrive $0xFFFF  }
0x172: {  	p0 =	sne.s32 s0, $0x0;
	_ =	strace $0x90000047  }
0x173: {  	s0 =	sadd.s32 @!p0 $0x100000, s3;
	[bflag:$0x2] =	sbarrier.arrive $0xFFFF  }
0x174: {  	[sflag:s0] =	ssyncadd.tile.s32 @!p0 $0x1;
	_ =	shalt  }
.Lfunc_end2:
_tile_overlayer_lowered:
.L_overlay_start_2:
0x175: {  	(tag) =	ssettag $0x2  }
0x176: {  	s0 =	rddreg [dreg:$0x0];
	s2 =	stileid.u32  }
0x177: {  	s1 =	rddreg [dreg:$0x1];
	p0 =	sne.s32 s2, $0x0  }
0x178: {  	s3 =	rddreg [dreg:$0x2];
	[bflag:$0x3] =	sbarrier.arrive $0xFFFF;
	s2 =	simm.s32 @!p0 $0x1C04  }
0x179: {  	[timem:s3], [sflag:s2] =	dma.local @!p0 [hbm:s0], s1  }
0x17a: {  	s0 =	simm.s32 @!p0 $0x4  }
0x17b: {  	_ =	swait.ge @!p0 [sflag:s0], s1  }
0x17c: {  	s1 =	ssub.s32 @!p0 $0x0, s1;
	[sflag:s0] =	ssyncset.done @!p0 $0x0  }
0x17d: {  	[sflag:s0] =	ssyncadd.s32 @!p0 s1  }
0x17e: {  	[bflag:$0x3] =	sbarrier.arrive $0xFFFF  }
0x17f: {  	_ =	shalt  }

</sc_bundles>
